<compile_context>
chip_gen: v7x
topology: tpu7x:2x2x1
jax: 0.10.2.dev20260603
libtpu: 0.0.44.dev20260713+nightly
codegen_flags: <defaults>
</compile_context>

<pallas_src>
import functools
import math

import jax
import jax.numpy as jnp
from jax.experimental import pallas as pl
from jax.experimental.pallas import tpu as pltpu

_B = 2
_T = 2048
_D = 1024
_HID = 4096
_E = 8
_TOPK = 2
_L = 2
_H = 4
_HIST = 10
_FF = 4 * _D
_MEM = 512

_BT = _B * _T
_P = _TOPK * _BT
_BLK = 256
_NP = _P + _E * _BLK
_NB = _NP // _BLK
_TB = 512
_C = 0.5 * math.log(2.0 * math.pi)


def _layernorm(x, g, b):
    m = jnp.mean(x, axis=-1, keepdims=True)
    v = jnp.var(x, axis=-1, keepdims=True)
    return (x - m) / jnp.sqrt(v + 1e-5) * g + b


def _mha(q_in, kv_in, Wq, Wk, Wv, Wo):
    Bq, Tq, d = q_in.shape
    Tk = kv_in.shape[1]
    hd = d // _H
    q = (q_in @ Wq).reshape(Bq, Tq, _H, hd).transpose(0, 2, 1, 3)
    k = (kv_in @ Wk).reshape(Bq, Tk, _H, hd).transpose(0, 2, 1, 3)
    v = (kv_in @ Wv).reshape(Bq, Tk, _H, hd).transpose(0, 2, 1, 3)
    att = jax.nn.softmax(q @ k.transpose(0, 1, 3, 2) / math.sqrt(hd), axis=-1)
    o = (att @ v).transpose(0, 2, 1, 3).reshape(Bq, Tq, d)
    return o @ Wo


def _route_body(x_ref, mu_ref, sig_ref, ls_ref, lp_ref, ti_ref, w_ref):
    xb = x_ref[0]
    lps = []
    for e in range(_E):
        diff = (xb - mu_ref[0, e]) / sig_ref[0, e]
        terms = -0.5 * diff * diff - ls_ref[0, e] - _C
        lps.append(jnp.sum(terms, axis=-1))
    lp = jnp.stack(lps, axis=-1)
    lp_ref[0] = lp
    iota = jax.lax.broadcasted_iota(jnp.int32, (_TB, _E), 1)
    m1 = jnp.max(lp, axis=1, keepdims=True)
    i1 = jnp.min(jnp.where(lp == m1, iota, _E), axis=1)
    masked = jnp.where(iota == i1[:, None], -jnp.inf, lp)
    m2 = jnp.max(masked, axis=1, keepdims=True)
    i2 = jnp.min(jnp.where(masked == m2, iota, _E), axis=1)
    ti_ref[0] = jnp.stack([i1, i2], axis=-1)
    e2 = jnp.exp(m2[:, 0] - m1[:, 0])
    denom = 1.0 + e2
    w_ref[0] = jnp.stack([1.0 / denom, e2 / denom], axis=-1)


def _route(x, mus, sig, ls):
    grid = (_B, _T // _TB)
    return pl.pallas_call(
        _route_body,
        grid=grid,
        in_specs=[
            pl.BlockSpec((1, _TB, _D), lambda b, i: (b, i, 0)),
            pl.BlockSpec((1, _E, _D), lambda b, i: (b, 0, 0)),
            pl.BlockSpec((1, _E, _D), lambda b, i: (b, 0, 0)),
            pl.BlockSpec((1, _E, _D), lambda b, i: (b, 0, 0)),
        ],
        out_specs=[
            pl.BlockSpec((1, _TB, _E), lambda b, i: (b, i, 0)),
            pl.BlockSpec((1, _TB, _TOPK), lambda b, i: (b, i, 0)),
            pl.BlockSpec((1, _TB, _TOPK), lambda b, i: (b, i, 0)),
        ],
        out_shape=[
            jax.ShapeDtypeStruct((_B, _T, _E), jnp.float32),
            jax.ShapeDtypeStruct((_B, _T, _TOPK), jnp.int32),
            jax.ShapeDtypeStruct((_B, _T, _TOPK), jnp.float32),
        ],
    )(x, mus, sig, ls)


_HB = 1024
_NH = _HID // _HB


def _mlp_body(be_ref, xs_ref, gw_ref, w1_ref, b1_ref, w2_ref, b2_ref, out_ref):
    j = pl.program_id(1)
    h = jnp.dot(xs_ref[...], w1_ref[0], preferred_element_type=jnp.float32)
    h = h + b1_ref[0]
    h = 0.5 * h * (1.0 + jax.lax.erf(h * (1.0 / math.sqrt(2.0))))
    acc = jnp.dot(h, w2_ref[0], preferred_element_type=jnp.float32)

    @pl.when(j == 0)
    def _():
        out_ref[...] = acc

    @pl.when(j > 0)
    def _():
        out_ref[...] += acc

    @pl.when(j == _NH - 1)
    def _():
        out_ref[...] = gw_ref[...] * (out_ref[...] + b2_ref[0])


def _expert_mlp(xs, gw, We1, be1, We2, be2, block_expert):
    grid_spec = pltpu.PrefetchScalarGridSpec(
        num_scalar_prefetch=1,
        grid=(_NB, _NH),
        in_specs=[
            pl.BlockSpec((_BLK, _D), lambda i, j, be: (i, 0)),
            pl.BlockSpec((_BLK, 1), lambda i, j, be: (i, 0)),
            pl.BlockSpec((1, _D, _HB), lambda i, j, be: (be[i], 0, j)),
            pl.BlockSpec((1, 1, _HB), lambda i, j, be: (be[i], 0, j)),
            pl.BlockSpec((1, _HB, _D), lambda i, j, be: (be[i], j, 0)),
            pl.BlockSpec((1, 1, _D), lambda i, j, be: (be[i], 0, 0)),
        ],
        out_specs=pl.BlockSpec((_BLK, _D), lambda i, j, be: (i, 0)),
    )
    return pl.pallas_call(
        _mlp_body,
        grid_spec=grid_spec,
        out_shape=jax.ShapeDtypeStruct((_NP, _D), jnp.float32),
    )(block_expert, xs, gw, We1, be1.reshape(_E, 1, _HID), We2,
      be2.reshape(_E, 1, _D))


def kernel(x, memory_bank, Wq_s, Wk_s, Wv_s, Wo_s, Wq_c, Wk_c, Wv_c, Wo_c,
           ln1_g, ln1_b, ln2_g, ln2_b, ln3_g, ln3_b, Wf1, bf1, Wf2, bf2,
           W_mu, b_mu, W_ls, b_ls, We1, be1, We2, be2):
    q_subject = jnp.mean(x, axis=1)
    sim = q_subject @ memory_bank.T
    _, idx = jax.lax.top_k(sim, _HIST)
    retrieved = memory_bank[idx]
    tgt = q_subject[:, None, :]
    for l in range(_L):
        h1 = _layernorm(tgt, ln1_g[l], ln1_b[l])
        tgt = tgt + _mha(h1, h1, Wq_s[l], Wk_s[l], Wv_s[l], Wo_s[l])
        h2 = _layernorm(tgt, ln2_g[l], ln2_b[l])
        tgt = tgt + _mha(h2, retrieved, Wq_c[l], Wk_c[l], Wv_c[l], Wo_c[l])
        h3 = _layernorm(tgt, ln3_g[l], ln3_b[l])
        tgt = tgt + jax.nn.gelu(h3 @ Wf1[l] + bf1[l], approximate=False) @ Wf2[l] + bf2[l]
    mus = (tgt @ W_mu + b_mu).reshape(_B, _E, _D)
    ls = (tgt @ W_ls + b_ls).reshape(_B, _E, _D)
    sig = jnp.exp(ls)

    lp, ti, w = _route(x, mus, sig, ls)

    ek = ti.reshape(_BT, _TOPK).T.reshape(_P)
    wk = w.reshape(_BT, _TOPK).T.reshape(_P)
    perm = jnp.argsort(ek, stable=True)
    e_sorted = ek[perm]
    counts = jnp.bincount(ek, length=_E)
    starts = jnp.concatenate([jnp.zeros(1, jnp.int32),
                              jnp.cumsum(counts)[:-1].astype(jnp.int32)])
    padded = ((counts + _BLK - 1) // _BLK) * _BLK
    pstart = jnp.concatenate([jnp.zeros(1, jnp.int32),
                              jnp.cumsum(padded).astype(jnp.int32)])
    rank = jnp.arange(_P, dtype=jnp.int32) - starts[e_sorted]
    pos = pstart[e_sorted] + rank
    tok = (perm % _BT).astype(jnp.int32)
    gidx = jnp.zeros(_NP, jnp.int32).at[pos].set(tok)
    gw = jnp.zeros(_NP, jnp.float32).at[pos].set(wk[perm])
    inv = jnp.zeros(_P, jnp.int32).at[perm].set(pos)
    rb = jnp.arange(_NB, dtype=jnp.int32) * _BLK
    block_expert = jnp.clip(
        jnp.searchsorted(pstart[1:], rb, side='right'), 0, _E - 1
    ).astype(jnp.int32)

    x_flat = x.reshape(_BT, _D)
    xs = x_flat[gidx]

    out_sorted = _expert_mlp(xs, gw.reshape(_NP, 1), We1, be1, We2, be2,
                             block_expert)

    y = out_sorted[inv[:_BT]] + out_sorted[inv[_BT:]]
    final = y.reshape(_B, _T, _D)
    return final, lp, ti

# --- scband reference (transcript-rebuilt; emitter-appended) ---
"""Pipeline reference for scband-memory-gaussian-mo-elayer-5592047419819 (READ-ONLY COPY).

The authoritative reference and input builder live on the scoring server;
editing this copy changes nothing except your own understanding.
"""

import jax, jax.numpy as jnp
import numpy as np
import math

B = 2; T = 2048; IN_F = 1024; HID = 4096; OUT_F = 1024
E = 8; TOPK = 2; L = 2; H = 4; HIST = 10; FF_G = 4 * IN_F; MEM = 512


def _layernorm(x, g, b):
    m = jnp.mean(x, axis=-1, keepdims=True)
    v = jnp.var(x, axis=-1, keepdims=True)
    return (x - m) / jnp.sqrt(v + 1e-5) * g + b


def _mha(q_in, kv_in, Wq, Wk, Wv, Wo):
    Bq, Tq, d = q_in.shape
    Tk = kv_in.shape[1]
    hd = d // H
    q = (q_in @ Wq).reshape(Bq, Tq, H, hd).transpose(0, 2, 1, 3)
    k = (kv_in @ Wk).reshape(Bq, Tk, H, hd).transpose(0, 2, 1, 3)
    v = (kv_in @ Wv).reshape(Bq, Tk, H, hd).transpose(0, 2, 1, 3)
    att = jax.nn.softmax(q @ k.transpose(0, 1, 3, 2) / math.sqrt(hd), axis=-1)
    o = (att @ v).transpose(0, 2, 1, 3).reshape(Bq, Tq, d)
    return o @ Wo


def setup_inputs(seed: int = 0) -> dict:
    key = jax.random.key(seed)
    ks = iter(jax.random.split(key, 64))

    def nrm(shape, scale=0.02):
        return jax.random.normal(next(ks), shape, dtype=jnp.float32) * scale

    inp = {}
    inp["x"] = jax.random.normal(next(ks), (B, T, IN_F), dtype=jnp.float32)
    inp["memory_bank"] = jax.random.normal(next(ks), (MEM, IN_F), dtype=jnp.float32)
    for nm in ["Wq_s", "Wk_s", "Wv_s", "Wo_s", "Wq_c", "Wk_c", "Wv_c", "Wo_c"]:
        inp[nm] = nrm((L, IN_F, IN_F))
    for nm in ["ln1_g", "ln2_g", "ln3_g"]:
        inp[nm] = jnp.ones((L, IN_F), dtype=jnp.float32)
    for nm in ["ln1_b", "ln2_b", "ln3_b"]:
        inp[nm] = jnp.zeros((L, IN_F), dtype=jnp.float32)
    inp["Wf1"] = nrm((L, IN_F, FF_G))
    inp["bf1"] = jnp.zeros((L, FF_G), dtype=jnp.float32)
    inp["Wf2"] = nrm((L, FF_G, IN_F))
    inp["bf2"] = jnp.zeros((L, IN_F), dtype=jnp.float32)
    inp["W_mu"] = nrm((IN_F, E * IN_F))
    inp["b_mu"] = jnp.zeros((E * IN_F,), dtype=jnp.float32)
    inp["W_ls"] = nrm((IN_F, E * IN_F))
    inp["b_ls"] = jnp.zeros((E * IN_F,), dtype=jnp.float32)
    inp["We1"] = nrm((E, IN_F, HID))
    inp["be1"] = jnp.zeros((E, HID), dtype=jnp.float32)
    inp["We2"] = nrm((E, HID, OUT_F))
    inp["be2"] = jnp.zeros((E, OUT_F), dtype=jnp.float32)
    return inp


def _forward(x, memory_bank, Wq_s, Wk_s, Wv_s, Wo_s, Wq_c, Wk_c, Wv_c, Wo_c,
             ln1_g, ln1_b, ln2_g, ln2_b, ln3_g, ln3_b, Wf1, bf1, Wf2, bf2,
             W_mu, b_mu, W_ls, b_ls, We1, be1, We2, be2):
    Bx, Tx, d = x.shape
    # subject query: mean over tokens
    q_subject = jnp.mean(x, axis=1)  # [B, d]
    # experience_buffer.retrieve_similar: top-k similarity gather from memory bank
    sim = q_subject @ memory_bank.T  # [B, MEM]
    _, idx = jax.lax.top_k(sim, HIST)  # [B, HIST]
    retrieved = memory_bank[idx]  # [B, HIST, d]
    # gating transformer (pre-LN decoder: self-attn, cross-attn, FFN)
    tgt = q_subject[:, None, :]  # [B, 1, d]
    for l in range(L):
        h1 = _layernorm(tgt, ln1_g[l], ln1_b[l])
        tgt = tgt + _mha(h1, h1, Wq_s[l], Wk_s[l], Wv_s[l], Wo_s[l])
        h2 = _layernorm(tgt, ln2_g[l], ln2_b[l])
        tgt = tgt + _mha(h2, retrieved, Wq_c[l], Wk_c[l], Wv_c[l], Wo_c[l])
        h3 = _layernorm(tgt, ln3_g[l], ln3_b[l])
        tgt = tgt + jax.nn.gelu(h3 @ Wf1[l] + bf1[l], approximate=False) @ Wf2[l] + bf2[l]
    mus = (tgt @ W_mu + b_mu).reshape(Bx, 1, E, d)
    log_sigmas = (tgt @ W_ls + b_ls).reshape(Bx, 1, E, d)
    sigma = jnp.exp(log_sigmas)
    # Gaussian log-prob of each token under each expert's dynamic Normal
    diff = (x[:, :, None, :] - mus) / sigma  # [B, T, E, d]
    log_probs = jnp.sum(-0.5 * diff * diff - log_sigmas - 0.5 * math.log(2.0 * math.pi), axis=-1)  # [B, T, E]
    lp_flat = log_probs.reshape(Bx * Tx, E)
    weights, top_idx = jax.lax.top_k(lp_flat, TOPK)  # [B*T, TOPK]
    weights = jax.nn.softmax(weights, axis=-1).astype(x.dtype)
    # dense per-expert gate (equivalent to index_add dispatch)
    gate = jnp.zeros((Bx * Tx, E), dtype=x.dtype)
    for kk in range(TOPK):
        gate = gate + jax.nn.one_hot(top_idx[:, kk], E, dtype=x.dtype) * weights[:, kk:kk + 1]
    x_flat = x.reshape(Bx * Tx, d)
    y = jnp.zeros((Bx * Tx, OUT_F), dtype=x.dtype)
    for i in range(E):
        h = jax.nn.gelu(x_flat @ We1[i] + be1[i], approximate=False) @ We2[i] + be2[i]
        y = y + gate[:, i:i + 1] * h
    final = y.reshape(Bx, Tx, OUT_F)
    return final, log_probs, top_idx.reshape(Bx, Tx, TOPK)


def reference(x, memory_bank, Wq_s, Wk_s, Wv_s, Wo_s, Wq_c, Wk_c, Wv_c, Wo_c,
              ln1_g, ln1_b, ln2_g, ln2_b, ln3_g, ln3_b, Wf1, bf1, Wf2, bf2,
              W_mu, b_mu, W_ls, b_ls, We1, be1, We2, be2):
    return _forward(x, memory_bank, Wq_s, Wk_s, Wv_s, Wo_s, Wq_c, Wk_c, Wv_c, Wo_c,
                    ln1_g, ln1_b, ln2_g, ln2_b, ln3_g, ln3_b, Wf1, bf1, Wf2, bf2,
                    W_mu, b_mu, W_ls, b_ls, We1, be1, We2, be2)

if __name__ == "__main__":
    import jax
    _d = setup_inputs()
    print(jax.jit(kernel)(*tuple(_d.values())))

</pallas_src>

<mosaic_0001>
module attributes {stable_mosaic.version = 14 : i64} {
  func.func @_route_body(%arg0: i32, %arg1: i32, %arg2: memref<1x512x1024xf32, #tpu.memory_space<vmem>>, %arg3: memref<1x8x1024xf32, #tpu.memory_space<vmem>>, %arg4: memref<1x8x1024xf32, #tpu.memory_space<vmem>>, %arg5: memref<1x8x1024xf32, #tpu.memory_space<vmem>>, %arg6: memref<1x512x8xf32, #tpu.memory_space<vmem>>, %arg7: memref<1x512x2xi32, #tpu.memory_space<vmem>>, %arg8: memref<1x512x2xf32, #tpu.memory_space<vmem>>) attributes {dimension_semantics = [#tpu.dimension_semantics<arbitrary>, #tpu.dimension_semantics<arbitrary>], iteration_bounds = array<i64: 2, 4>, scalar_prefetch = 0 : i64, scratch_operands = 0 : i64, tpu.core_type = #tpu.core_type<tc>, window_params = [{transform_indices = @transform_0, window_bounds = array<i64: 1, 512, 1024>}, {transform_indices = @transform_1, window_bounds = array<i64: 1, 8, 1024>}, {transform_indices = @transform_2, window_bounds = array<i64: 1, 8, 1024>}, {transform_indices = @transform_3, window_bounds = array<i64: 1, 8, 1024>}, {transform_indices = @transform_4, window_bounds = array<i64: 1, 512, 8>}, {transform_indices = @transform_5, window_bounds = array<i64: 1, 512, 2>}, {transform_indices = @transform_6, window_bounds = array<i64: 1, 512, 2>}]} {
    %get3A = arith.constant 0 : index
    %get3A_0 = arith.constant 0 : index
    %get3A_1 = arith.constant 0 : index
    %get3A_2 = vector.load %arg2[%get3A, %get3A_0, %get3A_1] : memref<1x512x1024xf32, #tpu.memory_space<vmem>>, vector<1x512x1024xf32>
    %get3A_3 = vector.shape_cast %get3A_2 : vector<1x512x1024xf32> to vector<512x1024xf32>
    %get3A_4 = arith.constant 0 : index
    %get3A_5 = arith.constant 0 : index
    %get3A_6 = arith.constant 0 : index
    %get3A_7 = vector.load %arg3[%get3A_4, %get3A_5, %get3A_6] : memref<1x8x1024xf32, #tpu.memory_space<vmem>>, vector<1x1x1024xf32>
    %get3A_8 = vector.shape_cast %get3A_7 : vector<1x1x1024xf32> to vector<1024xf32>
    %broadcast_in_dim3A = vector.shape_cast %get3A_8 : vector<1024xf32> to vector<1x1024xf32>
    %sub3A = vector.broadcast %broadcast_in_dim3A : vector<1x1024xf32> to vector<512x1024xf32>
    %sub3A_9 = arith.subf %get3A_3, %sub3A : vector<512x1024xf32>
    %get3A_10 = arith.constant 0 : index
    %get3A_11 = arith.constant 0 : index
    %get3A_12 = arith.constant 0 : index
    %get3A_13 = vector.load %arg4[%get3A_10, %get3A_11, %get3A_12] : memref<1x8x1024xf32, #tpu.memory_space<vmem>>, vector<1x1x1024xf32>
    %get3A_14 = vector.shape_cast %get3A_13 : vector<1x1x1024xf32> to vector<1024xf32>
    %broadcast_in_dim3A_15 = vector.shape_cast %get3A_14 : vector<1024xf32> to vector<1x1024xf32>
    %div3A = vector.broadcast %broadcast_in_dim3A_15 : vector<1x1024xf32> to vector<512x1024xf32>
    %div3A_16 = arith.divf %sub3A_9, %div3A : vector<512x1024xf32>
    %mul3A = arith.constant -5.000000e-01 : f32
    %mul3A_17 = vector.broadcast %mul3A : f32 to vector<512x1024xf32>
    %mul3A_18 = arith.mulf %mul3A_17, %div3A_16 : vector<512x1024xf32>
    %mul3A_19 = arith.mulf %mul3A_18, %div3A_16 : vector<512x1024xf32>
    %get3A_20 = arith.constant 0 : index
    %get3A_21 = arith.constant 0 : index
    %get3A_22 = arith.constant 0 : index
    %get3A_23 = vector.load %arg5[%get3A_20, %get3A_21, %get3A_22] : memref<1x8x1024xf32, #tpu.memory_space<vmem>>, vector<1x1x1024xf32>
    %get3A_24 = vector.shape_cast %get3A_23 : vector<1x1x1024xf32> to vector<1024xf32>
    %broadcast_in_dim3A_25 = vector.shape_cast %get3A_24 : vector<1024xf32> to vector<1x1024xf32>
    %sub3A_26 = vector.broadcast %broadcast_in_dim3A_25 : vector<1x1024xf32> to vector<512x1024xf32>
    %sub3A_27 = arith.subf %mul3A_19, %sub3A_26 : vector<512x1024xf32>
    %sub3A_28 = arith.constant 0.918938517 : f32
    %sub3A_29 = vector.broadcast %sub3A_28 : f32 to vector<512x1024xf32>
    %sub3A_30 = arith.subf %sub3A_27, %sub3A_29 : vector<512x1024xf32>
    %reduce_sum3A = arith.constant dense<0.000000e+00> : vector<512xf32>
    %reduce_sum3A_31 = vector.multi_reduction <add>, %sub3A_30, %reduce_sum3A [1] : vector<512x1024xf32> to vector<512xf32>
    %get3A_32 = arith.constant 0 : index
    %get3A_33 = arith.constant 1 : index
    %get3A_34 = arith.constant 0 : index
    %get3A_35 = vector.load %arg3[%get3A_32, %get3A_33, %get3A_34] : memref<1x8x1024xf32, #tpu.memory_space<vmem>>, vector<1x1x1024xf32>
    %get3A_36 = vector.shape_cast %get3A_35 : vector<1x1x1024xf32> to vector<1024xf32>
    %broadcast_in_dim3A_37 = vector.shape_cast %get3A_36 : vector<1024xf32> to vector<1x1024xf32>
    %sub3A_38 = vector.broadcast %broadcast_in_dim3A_37 : vector<1x1024xf32> to vector<512x1024xf32>
    %sub3A_39 = arith.subf %get3A_3, %sub3A_38 : vector<512x1024xf32>
    %get3A_40 = arith.constant 0 : index
    %get3A_41 = arith.constant 1 : index
    %get3A_42 = arith.constant 0 : index
    %get3A_43 = vector.load %arg4[%get3A_40, %get3A_41, %get3A_42] : memref<1x8x1024xf32, #tpu.memory_space<vmem>>, vector<1x1x1024xf32>
    %get3A_44 = vector.shape_cast %get3A_43 : vector<1x1x1024xf32> to vector<1024xf32>
    %broadcast_in_dim3A_45 = vector.shape_cast %get3A_44 : vector<1024xf32> to vector<1x1024xf32>
    %div3A_46 = vector.broadcast %broadcast_in_dim3A_45 : vector<1x1024xf32> to vector<512x1024xf32>
    %div3A_47 = arith.divf %sub3A_39, %div3A_46 : vector<512x1024xf32>
    %mul3A_48 = arith.constant -5.000000e-01 : f32
    %mul3A_49 = vector.broadcast %mul3A_48 : f32 to vector<512x1024xf32>
    %mul3A_50 = arith.mulf %mul3A_49, %div3A_47 : vector<512x1024xf32>
    %mul3A_51 = arith.mulf %mul3A_50, %div3A_47 : vector<512x1024xf32>
    %get3A_52 = arith.constant 0 : index
    %get3A_53 = arith.constant 1 : index
    %get3A_54 = arith.constant 0 : index
    %get3A_55 = vector.load %arg5[%get3A_52, %get3A_53, %get3A_54] : memref<1x8x1024xf32, #tpu.memory_space<vmem>>, vector<1x1x1024xf32>
    %get3A_56 = vector.shape_cast %get3A_55 : vector<1x1x1024xf32> to vector<1024xf32>
    %broadcast_in_dim3A_57 = vector.shape_cast %get3A_56 : vector<1024xf32> to vector<1x1024xf32>
    %sub3A_58 = vector.broadcast %broadcast_in_dim3A_57 : vector<1x1024xf32> to vector<512x1024xf32>
    %sub3A_59 = arith.subf %mul3A_51, %sub3A_58 : vector<512x1024xf32>
    %sub3A_60 = arith.constant 0.918938517 : f32
    %sub3A_61 = vector.broadcast %sub3A_60 : f32 to vector<512x1024xf32>
    %sub3A_62 = arith.subf %sub3A_59, %sub3A_61 : vector<512x1024xf32>
    %reduce_sum3A_63 = arith.constant dense<0.000000e+00> : vector<512xf32>
    %reduce_sum3A_64 = vector.multi_reduction <add>, %sub3A_62, %reduce_sum3A_63 [1] : vector<512x1024xf32> to vector<512xf32>
    %get3A_65 = arith.constant 0 : index
    %get3A_66 = arith.constant 2 : index
    %get3A_67 = arith.constant 0 : index
    %get3A_68 = vector.load %arg3[%get3A_65, %get3A_66, %get3A_67] : memref<1x8x1024xf32, #tpu.memory_space<vmem>>, vector<1x1x1024xf32>
    %get3A_69 = vector.shape_cast %get3A_68 : vector<1x1x1024xf32> to vector<1024xf32>
    %broadcast_in_dim3A_70 = vector.shape_cast %get3A_69 : vector<1024xf32> to vector<1x1024xf32>
    %sub3A_71 = vector.broadcast %broadcast_in_dim3A_70 : vector<1x1024xf32> to vector<512x1024xf32>
    %sub3A_72 = arith.subf %get3A_3, %sub3A_71 : vector<512x1024xf32>
    %get3A_73 = arith.constant 0 : index
    %get3A_74 = arith.constant 2 : index
    %get3A_75 = arith.constant 0 : index
    %get3A_76 = vector.load %arg4[%get3A_73, %get3A_74, %get3A_75] : memref<1x8x1024xf32, #tpu.memory_space<vmem>>, vector<1x1x1024xf32>
    %get3A_77 = vector.shape_cast %get3A_76 : vector<1x1x1024xf32> to vector<1024xf32>
    %broadcast_in_dim3A_78 = vector.shape_cast %get3A_77 : vector<1024xf32> to vector<1x1024xf32>
    %div3A_79 = vector.broadcast %broadcast_in_dim3A_78 : vector<1x1024xf32> to vector<512x1024xf32>
    %div3A_80 = arith.divf %sub3A_72, %div3A_79 : vector<512x1024xf32>
    %mul3A_81 = arith.constant -5.000000e-01 : f32
    %mul3A_82 = vector.broadcast %mul3A_81 : f32 to vector<512x1024xf32>
    %mul3A_83 = arith.mulf %mul3A_82, %div3A_80 : vector<512x1024xf32>
    %mul3A_84 = arith.mulf %mul3A_83, %div3A_80 : vector<512x1024xf32>
    %get3A_85 = arith.constant 0 : index
    %get3A_86 = arith.constant 2 : index
    %get3A_87 = arith.constant 0 : index
    %get3A_88 = vector.load %arg5[%get3A_85, %get3A_86, %get3A_87] : memref<1x8x1024xf32, #tpu.memory_space<vmem>>, vector<1x1x1024xf32>
    %get3A_89 = vector.shape_cast %get3A_88 : vector<1x1x1024xf32> to vector<1024xf32>
    %broadcast_in_dim3A_90 = vector.shape_cast %get3A_89 : vector<1024xf32> to vector<1x1024xf32>
    %sub3A_91 = vector.broadcast %broadcast_in_dim3A_90 : vector<1x1024xf32> to vector<512x1024xf32>
    %sub3A_92 = arith.subf %mul3A_84, %sub3A_91 : vector<512x1024xf32>
    %sub3A_93 = arith.constant 0.918938517 : f32
    %sub3A_94 = vector.broadcast %sub3A_93 : f32 to vector<512x1024xf32>
    %sub3A_95 = arith.subf %sub3A_92, %sub3A_94 : vector<512x1024xf32>
    %reduce_sum3A_96 = arith.constant dense<0.000000e+00> : vector<512xf32>
    %reduce_sum3A_97 = vector.multi_reduction <add>, %sub3A_95, %reduce_sum3A_96 [1] : vector<512x1024xf32> to vector<512xf32>
    %get3A_98 = arith.constant 0 : index
    %get3A_99 = arith.constant 3 : index
    %get3A_100 = arith.constant 0 : index
    %get3A_101 = vector.load %arg3[%get3A_98, %get3A_99, %get3A_100] : memref<1x8x1024xf32, #tpu.memory_space<vmem>>, vector<1x1x1024xf32>
    %get3A_102 = vector.shape_cast %get3A_101 : vector<1x1x1024xf32> to vector<1024xf32>
    %broadcast_in_dim3A_103 = vector.shape_cast %get3A_102 : vector<1024xf32> to vector<1x1024xf32>
    %sub3A_104 = vector.broadcast %broadcast_in_dim3A_103 : vector<1x1024xf32> to vector<512x1024xf32>
    %sub3A_105 = arith.subf %get3A_3, %sub3A_104 : vector<512x1024xf32>
    %get3A_106 = arith.constant 0 : index
    %get3A_107 = arith.constant 3 : index
    %get3A_108 = arith.constant 0 : index
    %get3A_109 = vector.load %arg4[%get3A_106, %get3A_107, %get3A_108] : memref<1x8x1024xf32, #tpu.memory_space<vmem>>, vector<1x1x1024xf32>
    %get3A_110 = vector.shape_cast %get3A_109 : vector<1x1x1024xf32> to vector<1024xf32>
    %broadcast_in_dim3A_111 = vector.shape_cast %get3A_110 : vector<1024xf32> to vector<1x1024xf32>
    %div3A_112 = vector.broadcast %broadcast_in_dim3A_111 : vector<1x1024xf32> to vector<512x1024xf32>
    %div3A_113 = arith.divf %sub3A_105, %div3A_112 : vector<512x1024xf32>
    %mul3A_114 = arith.constant -5.000000e-01 : f32
    %mul3A_115 = vector.broadcast %mul3A_114 : f32 to vector<512x1024xf32>
    %mul3A_116 = arith.mulf %mul3A_115, %div3A_113 : vector<512x1024xf32>
    %mul3A_117 = arith.mulf %mul3A_116, %div3A_113 : vector<512x1024xf32>
    %get3A_118 = arith.constant 0 : index
    %get3A_119 = arith.constant 3 : index
    %get3A_120 = arith.constant 0 : index
    %get3A_121 = vector.load %arg5[%get3A_118, %get3A_119, %get3A_120] : memref<1x8x1024xf32, #tpu.memory_space<vmem>>, vector<1x1x1024xf32>
    %get3A_122 = vector.shape_cast %get3A_121 : vector<1x1x1024xf32> to vector<1024xf32>
    %broadcast_in_dim3A_123 = vector.shape_cast %get3A_122 : vector<1024xf32> to vector<1x1024xf32>
    %sub3A_124 = vector.broadcast %broadcast_in_dim3A_123 : vector<1x1024xf32> to vector<512x1024xf32>
    %sub3A_125 = arith.subf %mul3A_117, %sub3A_124 : vector<512x1024xf32>
    %sub3A_126 = arith.constant 0.918938517 : f32
    %sub3A_127 = vector.broadcast %sub3A_126 : f32 to vector<512x1024xf32>
    %sub3A_128 = arith.subf %sub3A_125, %sub3A_127 : vector<512x1024xf32>
    %reduce_sum3A_129 = arith.constant dense<0.000000e+00> : vector<512xf32>
    %reduce_sum3A_130 = vector.multi_reduction <add>, %sub3A_128, %reduce_sum3A_129 [1] : vector<512x1024xf32> to vector<512xf32>
    %get3A_131 = arith.constant 0 : index
    %get3A_132 = arith.constant 4 : index
    %get3A_133 = arith.constant 0 : index
    %get3A_134 = vector.load %arg3[%get3A_131, %get3A_132, %get3A_133] : memref<1x8x1024xf32, #tpu.memory_space<vmem>>, vector<1x1x1024xf32>
    %get3A_135 = vector.shape_cast %get3A_134 : vector<1x1x1024xf32> to vector<1024xf32>
    %broadcast_in_dim3A_136 = vector.shape_cast %get3A_135 : vector<1024xf32> to vector<1x1024xf32>
    %sub3A_137 = vector.broadcast %broadcast_in_dim3A_136 : vector<1x1024xf32> to vector<512x1024xf32>
    %sub3A_138 = arith.subf %get3A_3, %sub3A_137 : vector<512x1024xf32>
    %get3A_139 = arith.constant 0 : index
    %get3A_140 = arith.constant 4 : index
    %get3A_141 = arith.constant 0 : index
    %get3A_142 = vector.load %arg4[%get3A_139, %get3A_140, %get3A_141] : memref<1x8x1024xf32, #tpu.memory_space<vmem>>, vector<1x1x1024xf32>
    %get3A_143 = vector.shape_cast %get3A_142 : vector<1x1x1024xf32> to vector<1024xf32>
    %broadcast_in_dim3A_144 = vector.shape_cast %get3A_143 : vector<1024xf32> to vector<1x1024xf32>
    %div3A_145 = vector.broadcast %broadcast_in_dim3A_144 : vector<1x1024xf32> to vector<512x1024xf32>
    %div3A_146 = arith.divf %sub3A_138, %div3A_145 : vector<512x1024xf32>
    %mul3A_147 = arith.constant -5.000000e-01 : f32
    %mul3A_148 = vector.broadcast %mul3A_147 : f32 to vector<512x1024xf32>
    %mul3A_149 = arith.mulf %mul3A_148, %div3A_146 : vector<512x1024xf32>
    %mul3A_150 = arith.mulf %mul3A_149, %div3A_146 : vector<512x1024xf32>
    %get3A_151 = arith.constant 0 : index
    %get3A_152 = arith.constant 4 : index
    %get3A_153 = arith.constant 0 : index
    %get3A_154 = vector.load %arg5[%get3A_151, %get3A_152, %get3A_153] : memref<1x8x1024xf32, #tpu.memory_space<vmem>>, vector<1x1x1024xf32>
    %get3A_155 = vector.shape_cast %get3A_154 : vector<1x1x1024xf32> to vector<1024xf32>
    %broadcast_in_dim3A_156 = vector.shape_cast %get3A_155 : vector<1024xf32> to vector<1x1024xf32>
    %sub3A_157 = vector.broadcast %broadcast_in_dim3A_156 : vector<1x1024xf32> to vector<512x1024xf32>
    %sub3A_158 = arith.subf %mul3A_150, %sub3A_157 : vector<512x1024xf32>
    %sub3A_159 = arith.constant 0.918938517 : f32
    %sub3A_160 = vector.broadcast %sub3A_159 : f32 to vector<512x1024xf32>
    %sub3A_161 = arith.subf %sub3A_158, %sub3A_160 : vector<512x1024xf32>
    %reduce_sum3A_162 = arith.constant dense<0.000000e+00> : vector<512xf32>
    %reduce_sum3A_163 = vector.multi_reduction <add>, %sub3A_161, %reduce_sum3A_162 [1] : vector<512x1024xf32> to vector<512xf32>
    %get3A_164 = arith.constant 0 : index
    %get3A_165 = arith.constant 5 : index
    %get3A_166 = arith.constant 0 : index
    %get3A_167 = vector.load %arg3[%get3A_164, %get3A_165, %get3A_166] : memref<1x8x1024xf32, #tpu.memory_space<vmem>>, vector<1x1x1024xf32>
    %get3A_168 = vector.shape_cast %get3A_167 : vector<1x1x1024xf32> to vector<1024xf32>
    %broadcast_in_dim3A_169 = vector.shape_cast %get3A_168 : vector<1024xf32> to vector<1x1024xf32>
    %sub3A_170 = vector.broadcast %broadcast_in_dim3A_169 : vector<1x1024xf32> to vector<512x1024xf32>
    %sub3A_171 = arith.subf %get3A_3, %sub3A_170 : vector<512x1024xf32>
    %get3A_172 = arith.constant 0 : index
    %get3A_173 = arith.constant 5 : index
    %get3A_174 = arith.constant 0 : index
    %get3A_175 = vector.load %arg4[%get3A_172, %get3A_173, %get3A_174] : memref<1x8x1024xf32, #tpu.memory_space<vmem>>, vector<1x1x1024xf32>
    %get3A_176 = vector.shape_cast %get3A_175 : vector<1x1x1024xf32> to vector<1024xf32>
    %broadcast_in_dim3A_177 = vector.shape_cast %get3A_176 : vector<1024xf32> to vector<1x1024xf32>
    %div3A_178 = vector.broadcast %broadcast_in_dim3A_177 : vector<1x1024xf32> to vector<512x1024xf32>
    %div3A_179 = arith.divf %sub3A_171, %div3A_178 : vector<512x1024xf32>
    %mul3A_180 = arith.constant -5.000000e-01 : f32
    %mul3A_181 = vector.broadcast %mul3A_180 : f32 to vector<512x1024xf32>
    %mul3A_182 = arith.mulf %mul3A_181, %div3A_179 : vector<512x1024xf32>
    %mul3A_183 = arith.mulf %mul3A_182, %div3A_179 : vector<512x1024xf32>
    %get3A_184 = arith.constant 0 : index
    %get3A_185 = arith.constant 5 : index
    %get3A_186 = arith.constant 0 : index
    %get3A_187 = vector.load %arg5[%get3A_184, %get3A_185, %get3A_186] : memref<1x8x1024xf32, #tpu.memory_space<vmem>>, vector<1x1x1024xf32>
    %get3A_188 = vector.shape_cast %get3A_187 : vector<1x1x1024xf32> to vector<1024xf32>
    %broadcast_in_dim3A_189 = vector.shape_cast %get3A_188 : vector<1024xf32> to vector<1x1024xf32>
    %sub3A_190 = vector.broadcast %broadcast_in_dim3A_189 : vector<1x1024xf32> to vector<512x1024xf32>
    %sub3A_191 = arith.subf %mul3A_183, %sub3A_190 : vector<512x1024xf32>
    %sub3A_192 = arith.constant 0.918938517 : f32
    %sub3A_193 = vector.broadcast %sub3A_192 : f32 to vector<512x1024xf32>
    %sub3A_194 = arith.subf %sub3A_191, %sub3A_193 : vector<512x1024xf32>
    %reduce_sum3A_195 = arith.constant dense<0.000000e+00> : vector<512xf32>
    %reduce_sum3A_196 = vector.multi_reduction <add>, %sub3A_194, %reduce_sum3A_195 [1] : vector<512x1024xf32> to vector<512xf32>
    %get3A_197 = arith.constant 0 : index
    %get3A_198 = arith.constant 6 : index
    %get3A_199 = arith.constant 0 : index
    %get3A_200 = vector.load %arg3[%get3A_197, %get3A_198, %get3A_199] : memref<1x8x1024xf32, #tpu.memory_space<vmem>>, vector<1x1x1024xf32>
    %get3A_201 = vector.shape_cast %get3A_200 : vector<1x1x1024xf32> to vector<1024xf32>
    %broadcast_in_dim3A_202 = vector.shape_cast %get3A_201 : vector<1024xf32> to vector<1x1024xf32>
    %sub3A_203 = vector.broadcast %broadcast_in_dim3A_202 : vector<1x1024xf32> to vector<512x1024xf32>
    %sub3A_204 = arith.subf %get3A_3, %sub3A_203 : vector<512x1024xf32>
    %get3A_205 = arith.constant 0 : index
    %get3A_206 = arith.constant 6 : index
    %get3A_207 = arith.constant 0 : index
    %get3A_208 = vector.load %arg4[%get3A_205, %get3A_206, %get3A_207] : memref<1x8x1024xf32, #tpu.memory_space<vmem>>, vector<1x1x1024xf32>
    %get3A_209 = vector.shape_cast %get3A_208 : vector<1x1x1024xf32> to vector<1024xf32>
    %broadcast_in_dim3A_210 = vector.shape_cast %get3A_209 : vector<1024xf32> to vector<1x1024xf32>
    %div3A_211 = vector.broadcast %broadcast_in_dim3A_210 : vector<1x1024xf32> to vector<512x1024xf32>
    %div3A_212 = arith.divf %sub3A_204, %div3A_211 : vector<512x1024xf32>
    %mul3A_213 = arith.constant -5.000000e-01 : f32
    %mul3A_214 = vector.broadcast %mul3A_213 : f32 to vector<512x1024xf32>
    %mul3A_215 = arith.mulf %mul3A_214, %div3A_212 : vector<512x1024xf32>
    %mul3A_216 = arith.mulf %mul3A_215, %div3A_212 : vector<512x1024xf32>
    %get3A_217 = arith.constant 0 : index
    %get3A_218 = arith.constant 6 : index
    %get3A_219 = arith.constant 0 : index
    %get3A_220 = vector.load %arg5[%get3A_217, %get3A_218, %get3A_219] : memref<1x8x1024xf32, #tpu.memory_space<vmem>>, vector<1x1x1024xf32>
    %get3A_221 = vector.shape_cast %get3A_220 : vector<1x1x1024xf32> to vector<1024xf32>
    %broadcast_in_dim3A_222 = vector.shape_cast %get3A_221 : vector<1024xf32> to vector<1x1024xf32>
    %sub3A_223 = vector.broadcast %broadcast_in_dim3A_222 : vector<1x1024xf32> to vector<512x1024xf32>
    %sub3A_224 = arith.subf %mul3A_216, %sub3A_223 : vector<512x1024xf32>
    %sub3A_225 = arith.constant 0.918938517 : f32
    %sub3A_226 = vector.broadcast %sub3A_225 : f32 to vector<512x1024xf32>
    %sub3A_227 = arith.subf %sub3A_224, %sub3A_226 : vector<512x1024xf32>
    %reduce_sum3A_228 = arith.constant dense<0.000000e+00> : vector<512xf32>
    %reduce_sum3A_229 = vector.multi_reduction <add>, %sub3A_227, %reduce_sum3A_228 [1] : vector<512x1024xf32> to vector<512xf32>
    %get3A_230 = arith.constant 0 : index
    %get3A_231 = arith.constant 7 : index
    %get3A_232 = arith.constant 0 : index
    %get3A_233 = vector.load %arg3[%get3A_230, %get3A_231, %get3A_232] : memref<1x8x1024xf32, #tpu.memory_space<vmem>>, vector<1x1x1024xf32>
    %get3A_234 = vector.shape_cast %get3A_233 : vector<1x1x1024xf32> to vector<1024xf32>
    %broadcast_in_dim3A_235 = vector.shape_cast %get3A_234 : vector<1024xf32> to vector<1x1024xf32>
    %sub3A_236 = vector.broadcast %broadcast_in_dim3A_235 : vector<1x1024xf32> to vector<512x1024xf32>
    %sub3A_237 = arith.subf %get3A_3, %sub3A_236 : vector<512x1024xf32>
    %get3A_238 = arith.constant 0 : index
    %get3A_239 = arith.constant 7 : index
    %get3A_240 = arith.constant 0 : index
    %get3A_241 = vector.load %arg4[%get3A_238, %get3A_239, %get3A_240] : memref<1x8x1024xf32, #tpu.memory_space<vmem>>, vector<1x1x1024xf32>
    %get3A_242 = vector.shape_cast %get3A_241 : vector<1x1x1024xf32> to vector<1024xf32>
    %broadcast_in_dim3A_243 = vector.shape_cast %get3A_242 : vector<1024xf32> to vector<1x1024xf32>
    %div3A_244 = vector.broadcast %broadcast_in_dim3A_243 : vector<1x1024xf32> to vector<512x1024xf32>
    %div3A_245 = arith.divf %sub3A_237, %div3A_244 : vector<512x1024xf32>
    %mul3A_246 = arith.constant -5.000000e-01 : f32
    %mul3A_247 = vector.broadcast %mul3A_246 : f32 to vector<512x1024xf32>
    %mul3A_248 = arith.mulf %mul3A_247, %div3A_245 : vector<512x1024xf32>
    %mul3A_249 = arith.mulf %mul3A_248, %div3A_245 : vector<512x1024xf32>
    %get3A_250 = arith.constant 0 : index
    %get3A_251 = arith.constant 7 : index
    %get3A_252 = arith.constant 0 : index
    %get3A_253 = vector.load %arg5[%get3A_250, %get3A_251, %get3A_252] : memref<1x8x1024xf32, #tpu.memory_space<vmem>>, vector<1x1x1024xf32>
    %get3A_254 = vector.shape_cast %get3A_253 : vector<1x1x1024xf32> to vector<1024xf32>
    %broadcast_in_dim3A_255 = vector.shape_cast %get3A_254 : vector<1024xf32> to vector<1x1024xf32>
    %sub3A_256 = vector.broadcast %broadcast_in_dim3A_255 : vector<1x1024xf32> to vector<512x1024xf32>
    %sub3A_257 = arith.subf %mul3A_249, %sub3A_256 : vector<512x1024xf32>
    %sub3A_258 = arith.constant 0.918938517 : f32
    %sub3A_259 = vector.broadcast %sub3A_258 : f32 to vector<512x1024xf32>
    %sub3A_260 = arith.subf %sub3A_257, %sub3A_259 : vector<512x1024xf32>
    %reduce_sum3A_261 = arith.constant dense<0.000000e+00> : vector<512xf32>
    %reduce_sum3A_262 = vector.multi_reduction <add>, %sub3A_260, %reduce_sum3A_261 [1] : vector<512x1024xf32> to vector<512xf32>
    %stack3A = vector.shape_cast %reduce_sum3A_31 : vector<512xf32> to vector<512x1xf32>
    %stack3A_263 = vector.shape_cast %reduce_sum3A_64 : vector<512xf32> to vector<512x1xf32>
    %stack3A_264 = vector.shape_cast %reduce_sum3A_97 : vector<512xf32> to vector<512x1xf32>
    %stack3A_265 = vector.shape_cast %reduce_sum3A_130 : vector<512xf32> to vector<512x1xf32>
    %stack3A_266 = vector.shape_cast %reduce_sum3A_163 : vector<512xf32> to vector<512x1xf32>
    %stack3A_267 = vector.shape_cast %reduce_sum3A_196 : vector<512xf32> to vector<512x1xf32>
    %stack3A_268 = vector.shape_cast %reduce_sum3A_229 : vector<512xf32> to vector<512x1xf32>
    %stack3A_269 = vector.shape_cast %reduce_sum3A_262 : vector<512xf32> to vector<512x1xf32>
    %stack3A_270 = tpu.concatenate %stack3A, %stack3A_263, %stack3A_264, %stack3A_265, %stack3A_266, %stack3A_267, %stack3A_268, %stack3A_269 in 1 : vector<512x1xf32>, vector<512x1xf32>, vector<512x1xf32>, vector<512x1xf32>, vector<512x1xf32>, vector<512x1xf32>, vector<512x1xf32>, vector<512x1xf32> -> vector<512x8xf32>
    %swap3A = arith.constant 0 : index
    %swap3A_271 = arith.constant 0 : index
    %swap3A_272 = arith.constant 0 : index
    %swap3A_273 = vector.load %arg6[%swap3A, %swap3A_271, %swap3A_272] : memref<1x512x8xf32, #tpu.memory_space<vmem>>, vector<1x512x8xf32>
    %swap3A_274 = vector.shape_cast %swap3A_273 : vector<1x512x8xf32> to vector<512x8xf32>
    %swap3A_275 = vector.shape_cast %stack3A_270 : vector<512x8xf32> to vector<1x512x8xf32>
    tpu.vector_store %arg6[%swap3A, %swap3A_271, %swap3A_272], %swap3A_275 {strides = array<i32>} : memref<1x512x8xf32, #tpu.memory_space<vmem>>, vector<1x512x8xf32>,
    %iota3A = tpu.iota {dimensions = array<i32: 1>} : vector<512x8xi32>
    %reduce_max3A = arith.constant dense<0xFF800000> : vector<512xf32>
    %reduce_max3A_276 = vector.multi_reduction <maximumf>, %stack3A_270, %reduce_max3A [1] : vector<512x8xf32> to vector<512xf32>
    %broadcast_in_dim3A_277 = vector.shape_cast %reduce_max3A_276 : vector<512xf32> to vector<512x1xf32>
    %eq3A = vector.broadcast %broadcast_in_dim3A_277 : vector<512x1xf32> to vector<512x8xf32>
    %eq3A_278 = arith.cmpf oeq, %stack3A_270, %eq3A : vector<512x8xf32>
    %jit3A = arith.constant 8 : i32
    %broadcast_in_dim3A_279 = vector.broadcast %jit3A : i32 to vector<512x8xi32>
    %select_n3A = arith.select %eq3A_278, %iota3A, %broadcast_in_dim3A_279 : vector<512x8xi1>, vector<512x8xi32>
    %reduce_min3A = arith.constant dense<2147483647> : vector<512xi32>
    %reduce_min3A_280 = vector.multi_reduction <minsi>, %select_n3A, %reduce_min3A [1] : vector<512x8xi32> to vector<512xi32>
    %broadcast_in_dim3A_281 = vector.shape_cast %reduce_min3A_280 : vector<512xi32> to vector<512x1xi32>
    %eq3A_282 = vector.broadcast %broadcast_in_dim3A_281 : vector<512x1xi32> to vector<512x8xi32>
    %eq3A_283 = arith.cmpi eq, %iota3A, %eq3A_282 : vector<512x8xi32>
    %jit3A_284 = arith.constant 0xFF800000 : f32
    %broadcast_in_dim3A_285 = vector.broadcast %jit3A_284 : f32 to vector<512x8xf32>
    %select_n3A_286 = arith.select %eq3A_283, %broadcast_in_dim3A_285, %stack3A_270 : vector<512x8xi1>, vector<512x8xf32>
    %reduce_max3A_287 = arith.constant dense<0xFF800000> : vector<512xf32>
    %reduce_max3A_288 = vector.multi_reduction <maximumf>, %select_n3A_286, %reduce_max3A_287 [1] : vector<512x8xf32> to vector<512xf32>
    %broadcast_in_dim3A_289 = vector.shape_cast %reduce_max3A_288 : vector<512xf32> to vector<512x1xf32>
    %eq3A_290 = vector.broadcast %broadcast_in_dim3A_289 : vector<512x1xf32> to vector<512x8xf32>
    %eq3A_291 = arith.cmpf oeq, %select_n3A_286, %eq3A_290 : vector<512x8xf32>
    %jit3A_292 = arith.constant 8 : i32
    %broadcast_in_dim3A_293 = vector.broadcast %jit3A_292 : i32 to vector<512x8xi32>
    %select_n3A_294 = arith.select %eq3A_291, %iota3A, %broadcast_in_dim3A_293 : vector<512x8xi1>, vector<512x8xi32>
    %reduce_min3A_295 = arith.constant dense<2147483647> : vector<512xi32>
    %reduce_min3A_296 = vector.multi_reduction <minsi>, %select_n3A_294, %reduce_min3A_295 [1] : vector<512x8xi32> to vector<512xi32>
    %stack3A_297 = vector.shape_cast %reduce_min3A_280 : vector<512xi32> to vector<512x1xi32>
    %stack3A_298 = vector.shape_cast %reduce_min3A_296 : vector<512xi32> to vector<512x1xi32>
    %stack3A_299 = tpu.concatenate %stack3A_297, %stack3A_298 in 1 : vector<512x1xi32>, vector<512x1xi32> -> vector<512x2xi32>
    %swap3A_300 = arith.constant 0 : index
    %swap3A_301 = arith.constant 0 : index
    %swap3A_302 = arith.constant 0 : index
    %swap3A_303 = vector.load %arg7[%swap3A_300, %swap3A_301, %swap3A_302] : memref<1x512x2xi32, #tpu.memory_space<vmem>>, vector<1x512x2xi32>
    %swap3A_304 = vector.shape_cast %swap3A_303 : vector<1x512x2xi32> to vector<512x2xi32>
    %swap3A_305 = vector.shape_cast %stack3A_299 : vector<512x2xi32> to vector<1x512x2xi32>
    tpu.vector_store %arg7[%swap3A_300, %swap3A_301, %swap3A_302], %swap3A_305 {strides = array<i32>} : memref<1x512x2xi32, #tpu.memory_space<vmem>>, vector<1x512x2xi32>,
    %squeeze3A = vector.shape_cast %broadcast_in_dim3A_289 : vector<512x1xf32> to vector<512xf32>
    %squeeze3A_306 = vector.shape_cast %broadcast_in_dim3A_277 : vector<512x1xf32> to vector<512xf32>
    %sub3A_307 = arith.subf %squeeze3A, %squeeze3A_306 : vector<512xf32>
    %exp3A = math.exp %sub3A_307 : vector<512xf32>
    %add3A = arith.constant 1.000000e+00 : f32
    %add3A_308 = vector.broadcast %add3A : f32 to vector<512xf32>
    %add3A_309 = arith.addf %add3A_308, %exp3A : vector<512xf32>
    %div3A_310 = arith.constant 1.000000e+00 : f32
    %div3A_311 = vector.broadcast %div3A_310 : f32 to vector<512xf32>
    %div3A_312 = arith.divf %div3A_311, %add3A_309 : vector<512xf32>
    %div3A_313 = arith.divf %exp3A, %add3A_309 : vector<512xf32>
    %stack3A_314 = vector.shape_cast %div3A_312 : vector<512xf32> to vector<512x1xf32>
    %stack3A_315 = vector.shape_cast %div3A_313 : vector<512xf32> to vector<512x1xf32>
    %stack3A_316 = tpu.concatenate %stack3A_314, %stack3A_315 in 1 : vector<512x1xf32>, vector<512x1xf32> -> vector<512x2xf32>
    %swap3A_317 = arith.constant 0 : index
    %swap3A_318 = arith.constant 0 : index
    %swap3A_319 = arith.constant 0 : index
    %swap3A_320 = vector.load %arg8[%swap3A_317, %swap3A_318, %swap3A_319] : memref<1x512x2xf32, #tpu.memory_space<vmem>>, vector<1x512x2xf32>
    %swap3A_321 = vector.shape_cast %swap3A_320 : vector<1x512x2xf32> to vector<512x2xf32>
    %swap3A_322 = vector.shape_cast %stack3A_316 : vector<512x2xf32> to vector<1x512x2xf32>
    tpu.vector_store %arg8[%swap3A_317, %swap3A_318, %swap3A_319], %swap3A_322 {strides = array<i32>} : memref<1x512x2xf32, #tpu.memory_space<vmem>>, vector<1x512x2xf32>,
    return
  }
  func.func @transform_0(%arg0: i32, %arg1: i32) -> (i32, i32, i32) {
    %c0_i32 = arith.constant 0 : i32
    %c0_i32_0 = arith.constant 0 : i32
    return %arg0, %arg1, %c0_i32 : i32, i32, i32
  }
  func.func @transform_1(%arg0: i32, %arg1: i32) -> (i32, i32, i32) {
    %c0_i32 = arith.constant 0 : i32
    %c0_i32_0 = arith.constant 0 : i32
    %c0_i32_1 = arith.constant 0 : i32
    return %arg0, %c0_i32, %c0_i32_0 : i32, i32, i32
  }
  func.func @transform_2(%arg0: i32, %arg1: i32) -> (i32, i32, i32) {
    %c0_i32 = arith.constant 0 : i32
    %c0_i32_0 = arith.constant 0 : i32
    %c0_i32_1 = arith.constant 0 : i32
    return %arg0, %c0_i32, %c0_i32_0 : i32, i32, i32
  }
  func.func @transform_3(%arg0: i32, %arg1: i32) -> (i32, i32, i32) {
    %c0_i32 = arith.constant 0 : i32
    %c0_i32_0 = arith.constant 0 : i32
    %c0_i32_1 = arith.constant 0 : i32
    return %arg0, %c0_i32, %c0_i32_0 : i32, i32, i32
  }
  func.func @transform_4(%arg0: i32, %arg1: i32) -> (i32, i32, i32) {
    %c0_i32 = arith.constant 0 : i32
    %c0_i32_0 = arith.constant 0 : i32
    return %arg0, %arg1, %c0_i32 : i32, i32, i32
  }
  func.func @transform_5(%arg0: i32, %arg1: i32) -> (i32, i32, i32) {
    %c0_i32 = arith.constant 0 : i32
    %c0_i32_0 = arith.constant 0 : i32
    return %arg0, %arg1, %c0_i32 : i32, i32, i32
  }
  func.func @transform_6(%arg0: i32, %arg1: i32) -> (i32, i32, i32) {
    %c0_i32 = arith.constant 0 : i32
    %c0_i32_0 = arith.constant 0 : i32
    return %arg0, %arg1, %c0_i32 : i32, i32, i32
  }
}

module attributes {stable_mosaic.version = 14 : i64} {
  func.func @_mlp_body(%arg0: i32, %arg1: i32, %arg2: memref<40xi32, #tpu.memory_space<smem>>, %arg3: memref<256x1024xf32, #tpu.memory_space<vmem>>, %arg4: memref<256x1xf32, #tpu.memory_space<vmem>>, %arg5: memref<1x1024x1024xf32, #tpu.memory_space<vmem>>, %arg6: memref<1x1x1024xf32, #tpu.memory_space<vmem>>, %arg7: memref<1x1024x1024xf32, #tpu.memory_space<vmem>>, %arg8: memref<1x1x1024xf32, #tpu.memory_space<vmem>>, %arg9: memref<256x1024xf32, #tpu.memory_space<vmem>>) attributes {dimension_semantics = [#tpu.dimension_semantics<arbitrary>, #tpu.dimension_semantics<arbitrary>], iteration_bounds = array<i64: 40, 4>, scalar_prefetch = 1 : i64, scratch_operands = 0 : i64, tpu.core_type = #tpu.core_type<tc>, window_params = [{transform_indices = @transform_0, window_bounds = array<i64: 256, 1024>}, {transform_indices = @transform_1, window_bounds = array<i64: 256, 1>}, {transform_indices = @transform_2, window_bounds = array<i64: 1, 1024, 1024>}, {transform_indices = @transform_3, window_bounds = array<i64: 1, 1, 1024>}, {transform_indices = @transform_4, window_bounds = array<i64: 1, 1024, 1024>}, {transform_indices = @transform_5, window_bounds = array<i64: 1, 1, 1024>}, {transform_indices = @transform_6, window_bounds = array<i64: 256, 1024>}]} {
    %get3A = arith.constant 0 : index
    %get3A_0 = arith.constant 0 : index
    %get3A_1 = vector.load %arg3[%get3A, %get3A_0] : memref<256x1024xf32, #tpu.memory_space<vmem>>, vector<256x1024xf32>
    %get3A_2 = arith.constant 0 : index
    %get3A_3 = arith.constant 0 : index
    %get3A_4 = arith.constant 0 : index
    %get3A_5 = vector.load %arg5[%get3A_2, %get3A_3, %get3A_4] : memref<1x1024x1024xf32, #tpu.memory_space<vmem>>, vector<1x1024x1024xf32>
    %get3A_6 = vector.shape_cast %get3A_5 : vector<1x1024x1024xf32> to vector<1024x1024xf32>
    %dot_general3A = arith.constant dense<0.000000e+00> : vector<256x1024xf32>
    %dot_general3A_7 = tpu.matmul %get3A_1, %get3A_6, %dot_general3A {dimension_numbers = #tpu.dot_dimension_numbers<[1], [0], [0], [1], [0, 0, 1, 1], [], []>, transpose_lhs_hint = false} : vector<256x1024xf32>, vector<1024x1024xf32>, vector<256x1024xf32> -> vector<256x1024xf32>
    %get3A_8 = arith.constant 0 : index
    %get3A_9 = arith.constant 0 : index
    %get3A_10 = arith.constant 0 : index
    %get3A_11 = vector.load %arg6[%get3A_8, %get3A_9, %get3A_10] : memref<1x1x1024xf32, #tpu.memory_space<vmem>>, vector<1x1x1024xf32>
    %get3A_12 = vector.shape_cast %get3A_11 : vector<1x1x1024xf32> to vector<1x1024xf32>
    %add3A = vector.broadcast %get3A_12 : vector<1x1024xf32> to vector<256x1024xf32>
    %add3A_13 = arith.addf %dot_general3A_7, %add3A : vector<256x1024xf32>
    %mul3A = arith.constant 5.000000e-01 : f32
    %mul3A_14 = vector.broadcast %mul3A : f32 to vector<256x1024xf32>
    %mul3A_15 = arith.mulf %mul3A_14, %add3A_13 : vector<256x1024xf32>
    %mul3A_16 = arith.constant 0.707106769 : f32
    %mul3A_17 = vector.broadcast %mul3A_16 : f32 to vector<256x1024xf32>
    %mul3A_18 = arith.mulf %add3A_13, %mul3A_17 : vector<256x1024xf32>
    %erf3A = math.erf %mul3A_18 : vector<256x1024xf32>
    %add3A_19 = arith.constant 1.000000e+00 : f32
    %add3A_20 = vector.broadcast %add3A_19 : f32 to vector<256x1024xf32>
    %add3A_21 = arith.addf %add3A_20, %erf3A : vector<256x1024xf32>
    %mul3A_22 = arith.mulf %mul3A_15, %add3A_21 : vector<256x1024xf32>
    %get3A_23 = arith.constant 0 : index
    %get3A_24 = arith.constant 0 : index
    %get3A_25 = arith.constant 0 : index
    %get3A_26 = vector.load %arg7[%get3A_23, %get3A_24, %get3A_25] : memref<1x1024x1024xf32, #tpu.memory_space<vmem>>, vector<1x1024x1024xf32>
    %get3A_27 = vector.shape_cast %get3A_26 : vector<1x1024x1024xf32> to vector<1024x1024xf32>
    %dot_general3A_28 = arith.constant dense<0.000000e+00> : vector<256x1024xf32>
    %dot_general3A_29 = tpu.matmul %mul3A_22, %get3A_27, %dot_general3A_28 {dimension_numbers = #tpu.dot_dimension_numbers<[1], [0], [0], [1], [0, 0, 1, 1], [], []>, transpose_lhs_hint = false} : vector<256x1024xf32>, vector<1024x1024xf32>, vector<256x1024xf32> -> vector<256x1024xf32>
    %eq3A = arith.constant 0 : i32
    %eq3A_30 = arith.cmpi eq, %arg1, %eq3A : i32
    %convert_element_type3A = arith.extui %eq3A_30 : i1 to i32
    %cond3A = arith.constant 0 : i32
    %cond3A_31 = arith.cmpi ne, %convert_element_type3A, %cond3A : i32
    scf.if %cond3A_31 {
      %swap3A = arith.constant 0 : index
      %swap3A_41 = arith.constant 0 : index
      %swap3A_42 = vector.load %arg9[%swap3A, %swap3A_41] : memref<256x1024xf32, #tpu.memory_space<vmem>>, vector<256x1024xf32>
      tpu.vector_store %arg9[%swap3A, %swap3A_41], %dot_general3A_29 {strides = array<i32>} : memref<256x1024xf32, #tpu.memory_space<vmem>>, vector<256x1024xf32>,
    } else {
    }
    %gt3A = arith.constant 0 : i32
    %gt3A_32 = arith.cmpi sgt, %arg1, %gt3A : i32
    %convert_element_type3A_33 = arith.extui %gt3A_32 : i1 to i32
    %cond3A_34 = arith.constant 0 : i32
    %cond3A_35 = arith.cmpi ne, %convert_element_type3A_33, %cond3A_34 : i32
    scf.if %cond3A_35 {
      %get3A_41 = arith.constant 0 : index
      %get3A_42 = arith.constant 0 : index
      %get3A_43 = vector.load %arg9[%get3A_41, %get3A_42] : memref<256x1024xf32, #tpu.memory_space<vmem>>, vector<256x1024xf32>
      %add3A_44 = arith.addf %get3A_43, %dot_general3A_29 : vector<256x1024xf32>
      %swap3A = arith.constant 0 : index
      %swap3A_45 = arith.constant 0 : index
      %swap3A_46 = vector.load %arg9[%swap3A, %swap3A_45] : memref<256x1024xf32, #tpu.memory_space<vmem>>, vector<256x1024xf32>
      tpu.vector_store %arg9[%swap3A, %swap3A_45], %add3A_44 {strides = array<i32>} : memref<256x1024xf32, #tpu.memory_space<vmem>>, vector<256x1024xf32>,
    } else {
    }
    %eq3A_36 = arith.constant 3 : i32
    %eq3A_37 = arith.cmpi eq, %arg1, %eq3A_36 : i32
    %convert_element_type3A_38 = arith.extui %eq3A_37 : i1 to i32
    %cond3A_39 = arith.constant 0 : i32
    %cond3A_40 = arith.cmpi ne, %convert_element_type3A_38, %cond3A_39 : i32
    scf.if %cond3A_40 {
      %get3A_41 = arith.constant 0 : index
      %get3A_42 = arith.constant 0 : index
      %get3A_43 = vector.load %arg4[%get3A_41, %get3A_42] : memref<256x1xf32, #tpu.memory_space<vmem>>, vector<256x1xf32>
      %get3A_44 = arith.constant 0 : index
      %get3A_45 = arith.constant 0 : index
      %get3A_46 = vector.load %arg9[%get3A_44, %get3A_45] : memref<256x1024xf32, #tpu.memory_space<vmem>>, vector<256x1024xf32>
      %get3A_47 = arith.constant 0 : index
      %get3A_48 = arith.constant 0 : index
      %get3A_49 = arith.constant 0 : index
      %get3A_50 = vector.load %arg8[%get3A_47, %get3A_48, %get3A_49] : memref<1x1x1024xf32, #tpu.memory_space<vmem>>, vector<1x1x1024xf32>
      %get3A_51 = vector.shape_cast %get3A_50 : vector<1x1x1024xf32> to vector<1x1024xf32>
      %add3A_52 = vector.broadcast %get3A_51 : vector<1x1024xf32> to vector<256x1024xf32>
      %add3A_53 = arith.addf %get3A_46, %add3A_52 : vector<256x1024xf32>
      %mul3A_54 = vector.broadcast %get3A_43 : vector<256x1xf32> to vector<256x1024xf32>
      %mul3A_55 = arith.mulf %mul3A_54, %add3A_53 : vector<256x1024xf32>
      %swap3A = arith.constant 0 : index
      %swap3A_56 = arith.constant 0 : index
      %swap3A_57 = vector.load %arg9[%swap3A, %swap3A_56] : memref<256x1024xf32, #tpu.memory_space<vmem>>, vector<256x1024xf32>
      tpu.vector_store %arg9[%swap3A, %swap3A_56], %mul3A_55 {strides = array<i32>} : memref<256x1024xf32, #tpu.memory_space<vmem>>, vector<256x1024xf32>,
    } else {
    }
    return
  }
  func.func @transform_0(%arg0: i32, %arg1: i32, %arg2: memref<40xi32, #tpu.memory_space<smem>>) -> (i32, i32) {
    %c0_i32 = arith.constant 0 : i32
    %c0_i32_0 = arith.constant 0 : i32
    return %arg0, %c0_i32 : i32, i32
  }
  func.func @transform_1(%arg0: i32, %arg1: i32, %arg2: memref<40xi32, #tpu.memory_space<smem>>) -> (i32, i32) {
    %c0_i32 = arith.constant 0 : i32
    %c0_i32_0 = arith.constant 0 : i32
    return %arg0, %c0_i32 : i32, i32
  }
  func.func @transform_2(%arg0: i32, %arg1: i32, %arg2: memref<40xi32, #tpu.memory_space<smem>>) -> (i32, i32, i32) {
    %get3A = arith.index_cast %arg0 : i32 to index
    %get3A_0 = memref.load %arg2[%get3A] : memref<40xi32, #tpu.memory_space<smem>>
    %c0_i32 = arith.constant 0 : i32
    %c0_i32_1 = arith.constant 0 : i32
    return %get3A_0, %c0_i32, %arg1 : i32, i32, i32
  }
  func.func @transform_3(%arg0: i32, %arg1: i32, %arg2: memref<40xi32, #tpu.memory_space<smem>>) -> (i32, i32, i32) {
    %get3A = arith.index_cast %arg0 : i32 to index
    %get3A_0 = memref.load %arg2[%get3A] : memref<40xi32, #tpu.memory_space<smem>>
    %c0_i32 = arith.constant 0 : i32
    %c0_i32_1 = arith.constant 0 : i32
    return %get3A_0, %c0_i32, %arg1 : i32, i32, i32
  }
  func.func @transform_4(%arg0: i32, %arg1: i32, %arg2: memref<40xi32, #tpu.memory_space<smem>>) -> (i32, i32, i32) {
    %get3A = arith.index_cast %arg0 : i32 to index
    %get3A_0 = memref.load %arg2[%get3A] : memref<40xi32, #tpu.memory_space<smem>>
    %c0_i32 = arith.constant 0 : i32
    %c0_i32_1 = arith.constant 0 : i32
    return %get3A_0, %arg1, %c0_i32 : i32, i32, i32
  }
  func.func @transform_5(%arg0: i32, %arg1: i32, %arg2: memref<40xi32, #tpu.memory_space<smem>>) -> (i32, i32, i32) {
    %get3A = arith.index_cast %arg0 : i32 to index
    %get3A_0 = memref.load %arg2[%get3A] : memref<40xi32, #tpu.memory_space<smem>>
    %c0_i32 = arith.constant 0 : i32
    %c0_i32_1 = arith.constant 0 : i32
    %c0_i32_2 = arith.constant 0 : i32
    return %get3A_0, %c0_i32, %c0_i32_1 : i32, i32, i32
  }
  func.func @transform_6(%arg0: i32, %arg1: i32, %arg2: memref<40xi32, #tpu.memory_space<smem>>) -> (i32, i32) {
    %c0_i32 = arith.constant 0 : i32
    %c0_i32_0 = arith.constant 0 : i32
    return %arg0, %c0_i32 : i32, i32
  }
}

</mosaic_0001>

<sc_bundles>
// kernel: gather_offload_async_start.1
scs
__scs_entry_jumppad:
0x0: {  	(pc) =	sbr.rel $0x88, $3  }
0x1: {  	(tag) =	ssettag $0x0;
	lr =	simm.s32 $0x1  }
0x2: {  	[smem:$0x3F85] =	sst lr;
	_ =	strace $0xD0000000  }
0x3: {  	_ = 	snop  }
0x4: {  	_ = 	snop  }
0x5: {  	_ = 	snop  }
0x6: {  	_ = 	snop  }
0x7: {  	_ = 	snop  }
__scs_overlays_trampoline_lowered:
0x8: {  	[smem:$0x3F94] =	sst s0  }
0x9: {  	[smem:$0x3F95] =	sst s1  }
0xa: {  	[smem:$0x3F96] =	sst s2  }
0xb: {  	[smem:$0x3F97] =	sst s3  }
0xc: {  	[smem:$0x3F98] =	sst s4  }
0xd: {  	[smem:$0x3F99] =	sst s5  }
0xe: {  	[smem:$0x3F9A] =	sst s6  }
0xf: {  	[smem:$0x3F9B] =	sst s7  }
0x10: {  	[smem:$0x3F9C] =	sst s8  }
0x11: {  	[smem:$0x3F9D] =	sst s9;
	s0 =	simm.s32 @!p0 $0x0  }
0x12: {  	s1 =	sld [smem:$0x3F83];
	s0 =	simm.s32 @p0 $0x1  }
0x13: {  	[smem:$0x3F9E] =	sst s0;
	s0 =	simm.s32 @!p1 $0x0  }
0x14: {  	s2 =	sld [smem:$0x3F82];
	s0 =	simm.s32 @p1 $0x1  }
0x15: {  	[smem:$0x3F9F] =	sst s0;
	s0 =	simm.s32 @!p2 $0x0  }
0x16: {  	s3 =	sld [smem:$0x3FDB];
	s0 =	simm.s32 @p2 $0x1  }
0x17: {  	s4 =	simm.s32 $0x1BF5;
	[smem:$0x3FA1] =	sst s0  }
0x18: {  	s0 =	sld [smem:$0x3F84];
	_ =	swait.ge [sflag:s4], $0x0  }
0x19: {  	s7 =	sld [smem:$0x3F85]  }
0x1a: {  	s8 =	sadd.s32 $0xFFFFE003, lr  }
0x1b: {  	s9 =	sadd.s32 $0xFFFFFEF7, lr;
	s5 =	simm.s32 $0xFFFFFFFF;
	p2 =	slt.u32 s8, $0xFFFFF086  }
0x1c: {  	p1 =	slt.u32 s9, $0xF7A;
	s5 =	simm.s32 @!p2 $0x0  }
0x1d: {  	s5 =	simm.s32 @p1 $0x1;
	p0 =	seq.s32 s7, s2  }
0x1e: {  	s7 =	smul.u32 @!p0 $0xF7A, s2;
	p2 =	seq.s32 @!p0 s5, $0x0  }
0x1f: {  	s9 =	smul.u32 $0xF7A, s1;
	s8 =	simm.s32 @!p0 $0x1BF5;
	p2 =	por !p2, p0  }
0x20: {  	[sflag:s8] =	ssyncset.s32 @!p0 $0xFFFFF086;
	s6 =	sadd.s32 @!p0 s3, s7;
	s7 =	simm.s32 @!p0 $0x108  }
0x21: {  	s3 =	sadd.s32 s3, s9;
	s6 =	sadd.s32 @!p0 $0x88, s6;
	s7 =	simm.s32 @p2 $0x1082  }
0x22: {  	[simem:s7], [sflag:s8] =	dma.local @!p0 [hbm:s6], $0xF7A  }
0x23: {  	s9 =	sor.u32 $0xD0000000, s2;
	s6 =	simm.s32 $0x108;
	_ =	swait.ge @!p0 [sflag:s8], $0x0  }
0x24: {  	s3 =	sadd.s32 $0x88, s3;
	s6 =	simm.s32 @!p1 $0x1082;
	[sflag:s4] =	ssyncset.s32 $0xFFFFF086  }
0x25: {  	[simem:s6], [sflag:s4] =	dma.local [hbm:s3], $0xF7A  }
0x26: {  	[smem:$0x3F85] =	sst s1;
	(tag) =	ssettag s2;
	_ =	strace s9  }
0x27: {  	s1 =	sld [smem:$0x3F95]  }
0x28: {  	s2 =	sld [smem:$0x3F96]  }
0x29: {  	s4 =	sld [smem:$0x3F98]  }
0x2a: {  	p0 =	seq.s32 s5, $0x0;
	s5 =	sld [smem:$0x3F99]  }
0x2b: {  	s6 =	sld [smem:$0x3F9A]  }
0x2c: {  	s7 =	sld [smem:$0x3F9B]  }
0x2d: {  	s3 =	simm.s32 $0x108;
	s8 =	sld [smem:$0x3F9C]  }
0x2e: {  	s3 =	simm.s32 @!p0 $0x1082;
	s9 =	sld [smem:$0x3F9D]  }
0x2f: {  	lr =	sadd.s32 s0, s3;
	s0 =	sld [smem:$0x3F94]  }
0x30: {  	s3 =	sld [smem:$0x3F97]  }
0x31: {  	[smem:$0x3FA0] =	sst s10  }
0x32: {  	s10 =	sld [smem:$0x3F9E];
	_ =	sdelay $0x3  }
0x33: {  	p0 =	seq.s32 s10, $0x1;
	s10 =	sld [smem:$0x3FA0];
	_ =	sdelay $0x3  }
0x34: {  	[smem:$0x3FA0] =	sst s10  }
0x35: {  	s10 =	sld [smem:$0x3F9F];
	_ =	sdelay $0x3  }
0x36: {  	p1 =	seq.s32 s10, $0x1;
	s10 =	sld [smem:$0x3FA0];
	_ =	sdelay $0x3  }
0x37: {  	[smem:$0x3FA0] =	sst s10  }
0x38: {  	s10 =	sld [smem:$0x3FA1]  }
0x39: {  	_ = 	snop;
	(pc) =	sbr.ind lr, $3  }
0x3a: {  	_ = 	snop  }
0x3b: {  	_ = 	snop  }
0x3c: {  	p2 =	seq.s32 s10, $0x1;
	s10 =	sld [smem:$0x3FA0]  }
0x3d: {  	_ =	shalt  }
0x3e: {  	_ =	shalt  }
0x3f: {  	_ =	shalt  }
0x40: {  	_ =	shalt  }
0x41: {  	_ =	shalt  }
0x42: {  	_ =	shalt  }
0x43: {  	_ =	shalt  }
0x44: {  	_ =	shalt  }
0x45: {  	_ =	shalt  }
0x46: {  	_ =	shalt  }
0x47: {  	_ =	shalt  }
0x48: {  	_ =	shalt  }
0x49: {  	_ =	shalt  }
0x4a: {  	_ =	shalt  }
0x4b: {  	_ =	shalt  }
0x4c: {  	_ =	shalt  }
0x4d: {  	_ =	shalt  }
0x4e: {  	_ =	shalt  }
0x4f: {  	_ =	shalt  }
0x50: {  	_ =	shalt  }
0x51: {  	_ =	shalt  }
0x52: {  	_ =	shalt  }
0x53: {  	_ =	shalt  }
0x54: {  	_ =	shalt  }
0x55: {  	_ =	shalt  }
0x56: {  	_ =	shalt  }
0x57: {  	_ =	shalt  }
0x58: {  	_ =	shalt  }
0x59: {  	_ =	shalt  }
0x5a: {  	_ =	shalt  }
0x5b: {  	_ =	shalt  }
0x5c: {  	_ =	shalt  }
0x5d: {  	_ =	shalt  }
0x5e: {  	_ =	shalt  }
0x5f: {  	_ =	shalt  }
0x60: {  	_ =	shalt  }
0x61: {  	_ =	shalt  }
0x62: {  	_ =	shalt  }
0x63: {  	_ =	shalt  }
0x64: {  	_ =	shalt  }
0x65: {  	_ =	shalt  }
0x66: {  	_ =	shalt  }
0x67: {  	_ =	shalt  }
0x68: {  	_ =	shalt  }
0x69: {  	_ =	shalt  }
0x6a: {  	_ =	shalt  }
0x6b: {  	_ =	shalt  }
0x6c: {  	_ =	shalt  }
0x6d: {  	_ =	shalt  }
0x6e: {  	_ =	shalt  }
0x6f: {  	_ =	shalt  }
0x70: {  	_ =	shalt  }
0x71: {  	_ =	shalt  }
0x72: {  	_ =	shalt  }
0x73: {  	_ =	shalt  }
0x74: {  	_ =	shalt  }
0x75: {  	_ =	shalt  }
0x76: {  	_ =	shalt  }
0x77: {  	_ =	shalt  }
0x78: {  	_ =	shalt  }
0x79: {  	_ =	shalt  }
0x7a: {  	_ =	shalt  }
0x7b: {  	_ =	shalt  }
0x7c: {  	_ =	shalt  }
0x7d: {  	_ =	shalt  }
0x7e: {  	_ =	shalt  }
0x7f: {  	_ =	shalt  }
0x80: {  	_ =	shalt  }
0x81: {  	_ =	shalt  }
0x82: {  	_ =	shalt  }
0x83: {  	_ =	shalt  }
0x84: {  	_ =	shalt  }
0x85: {  	_ =	shalt  }
0x86: {  	_ =	shalt  }
0x87: {  	_ =	shalt  }
.Lfunc_end0:
.L_simem_size_0:
called_computation.2_lowered:
.L_overlay_start_0:
0x88: {  	s2 =	sld [smem:$0x3FD9]  }
0x89: {  	s3 =	sld [smem:$0x3FFE];
	_ =	sdelay $0x1  }
0x8a: {  	s1 =	srdreg.scid  }
0x8b: {  	s0 =	sand.u32 $0x1, s1  }
0x8c: {  	s14 =	sshll.u32 s0, $0xA;
	s2 =	sadd.s32 s3, s2  }
0x8d: {  	s2 =	sadd.s32 s2, s14  }
0x8e: {  	[smem:$0x3FAC] =	sst s2  }
0x8f: {  	_ = 	snop  }
0x90: {  	s2 =	sld [smem:$0x3FD0];
	_ =	sdelay $0x2  }
0x91: {  	s15 =	simm.s32 $0xB;
	s4 =	simm.s32 $0x10  }
0x92: {  	[smem:s4], [sflag:s15] =	dma.local [hbm:s2], $0x1  }
0x93: {  	_ =	swait.eq [sflag:s15], $0x1  }
0x94: {  	[sflag:s15] =	ssyncset.done $0x0  }
0x95: {  	[sflag:s15] =	ssyncadd.s32 $0xFFFFFFFF  }
0x96: {  	s16 =	sld [smem:$0x12];
	(tm) =	ssettm $0x1  }
0x97: {  	s17 =	sld [smem:$0x3FFB];
	_ =	sdelay $0x3  }
0x98: {  	_ =	strace s17  }
0x99: {  	s3 =	sld [smem:$0x3FFC];
	_ =	sdelay $0x3  }
0x9a: {  	_ =	strace s3  }
0x9b: {  	s3 =	sld [smem:$0x3FFD];
	_ =	sdelay $0x3  }
0x9c: {  	_ =	strace s3  }
0x9d: {  	_ =	strace $0x8FFFFFFF  }
0x9e: {  	s18 =	sld [smem:$0x3FDB];
	_ =	sdelay $0x1  }
0x9f: {  	s19 =	simm.s32 $_scs_section_size  }
0xa0: {  	s5 =	simm.s32 $_size__tile_overlayer_lowered;
	s6 =	simm.s32 $_tile_overlayer_lowered  }
0xa1: {  	s22 =	simm.s32 $0x1BFF;
	s21 =	sshll.u32 s6, $0x1;
	s3 =	sadd.s32 s19, s18  }
0xa2: {  	s7 =	simm.s32 $0x0;
	s20 =	sshll.u32 s5, $0x1;
	s5 =	sadd.s32 s21, s3  }
0xa3: {  	[timem:s7], [sflag:s22] =	dma.local [hbm:s5], s20  }
0xa4: {  	_ =	swait.ge [sflag:s22], s20  }
0xa5: {  	s4 =	ssub.s32 $0x0, s20;
	[sflag:s22] =	ssyncset.done $0x0  }
0xa6: {  	[sflag:s22] =	ssyncadd.s32 s4;
	_ =	sdelay $0x1  }
0xa7: {  	s23 =	simm.s32 $0x1B8B  }
0xa8: {  	_ =	swait.ge [sflag:s23], $0x1  }
0xa9: {  	[sflag:s23] =	ssyncset.done $0x0  }
0xaa: {  	s25 =	simm.s32 $0x1B8E;
	s24 =	sld [smem:$0x3FFE];
	[sflag:s23] =	ssyncadd.s32 $0xFFFFFFFF  }
0xab: {  	s26 =	simm.s32 $execute0_lowered;
	[smem:$0x3FD2] =	sst s25  }
0xac: {  	s5 =	sshll.u32 s26, $0x1;
	_ =	strace $0x8000004C;
	[dreg:$0x1] =	wrdreg $0xFFFFFFFF  }
0xad: {  	s28 =	simm.s32 $_size_execute0_lowered;
	s3 =	sadd.s32 s3, s5;
	[dreg:$0x0] =	wrdreg $0x0  }
0xae: {  	s5 =	sshll.u32 s28, $0x1;
	[dreg:$0x2] =	wrdreg s3  }
0xaf: {  	[dreg:$0x3] =	wrdreg s5  }
0xb0: {  	[dreg:$0x4] =	wrdreg $0xC0  }
0xb1: {  	_ =	task [dreg:s7], $0x5FFFF  }
0xb2: {  	[dreg:$0x1] =	wrdreg $0xFFFFFFFF  }
0xb3: {  	[dreg:$0x0] =	wrdreg $0x60  }
0xb4: {  	[dreg:$0x2] =	wrdreg s24  }
0xb5: {  	[dreg:$0x3] =	wrdreg s16  }
0xb6: {  	[dreg:$0x4] =	wrdreg $0x9  }
0xb7: {  	_ =	task.clear_ibuf [dreg:s7], $0x5FFFF;
	_ =	strace $0x9000004C  }
0xb8: {  	s29 =	simm.s32 $0x9;
	_ =	strace $0x8000004E  }
0xb9: {  	_ =	swait.ge [sflag:s29], $0x1  }
0xba: {  	[sflag:s29] =	ssyncadd.s32 $0xFFFFFFFF  }
0xbb: {  	_ =	strace $0x9000004E  }
0xbc: {  	_ =	sfence  }
0xbd: {  	s30 =	sld [smem:$0x0];
	_ =	sdelay $0x2  }
0xbe: {  	s31 =	sshll.u32 s1, $0xD;
	s1 =	sshrl.u32 s1, $0x2  }
0xbf: {  	s3 =	sand.u32 $0x4000, s31;
	s1 =	sadd.s32 s1, s30  }
0xc0: {  	s0 =	sor.u32 s3, s0;
	s1 =	sshll.u32 s1, $0x11  }
0xc1: {  	s0 =	sor.u32 s1, s0  }
0xc2: {  	s0 =	sadd.s32 $0x8F2B, s0  }
0xc3: {  	[sflag:s0] =	ssyncadd.remote.s32 $0x1  }
0xc4: {  	_ =	sfence.sel $0xFFFF  }
0xc5: {  	[dreg:$0x0] =	wrdreg $0xFFFFFFFF;
	(pc) =	sbr.abs _section_cstart, $3  }
0xc6: {  	[dreg:$0x1] =	wrdreg $0xFFFFFFFF  }
0xc7: {  	_ =	task.clear_ibuf [dreg:s7], $0x2FFFF;
	_ =	strace $0x9FFFFFFF  }
0xc8: {  	(tm) =	ssettm $0x7FFFFFFF  }
0xc9: {  	_ =	shalt  }
tec
execute0_lowered:
.L_overlay_start_1:
0x0: {  	(tag) =	ssettag $0x1  }
0x1: {  	s1 =	srdreg.scid;
	s5 =	rddreg [dreg:$0x0]  }
0x2: {  	s0 =	stileid.u32;
	s2 =	rddreg [dreg:$0x1];
	s6 =	simm.s32 $0x1  }
0x3: {  	s9 =	simm.s32 $0x1;
	s10 =	simm.s32 $0x3;
	s1 =	sshll.u32 s1, $0x7  }
0x4: {  	s13 =	simm.s32 $0x0;
	s3 =	sshll.u32 s0, $0x8;
	s4 =	sand.u32 $0x80, s1  }
0x5: {  	s12 =	simm.s32 $0x0;
	s1 =	rddreg [dreg:$0x2];
	s3 =	sor.u32 s3, s4  }
0x6: {  	_ =	strace $0x8000004D;
	s4 =	sadd.s32 $0x20A00, s5;
	s8 =	ssub.s32 $0x2000, s3  }
.Ltmp0:
0x7: {  	s5 =	sadd.s32 $0x21400, s5;
	s7 =	sand.u32 $0xF80, s8;
	(pc) =	sbr.rel .LBB2_1-.Ltmp0, $4  }
0x8: {  	[sflag:s6] =	ssyncpa.u1 $0x0;
	s11 =	smov.u32 s3;
	p0 =	sne.s32 s7, $0x0  }
0x9: {  	s8 =	sshrl.u32 s8, $0xC;
	s7 =	simm.s32 $0x2;
	s9 =	simm.s32 @!p0 $0x0  }
0xa: {  	[sflag:s7] =	ssyncpa.u1 $0x0;
	p0 =	por $0x0, $0x0;
	s8 =	sadd.s32 s9, s8  }
0xb: {  	vm0 =	vmmov $0xffff;
	[sflag:s10] =	ssyncpa.u1 $0x0;
	s10 =	simm.s32 $0x0;
	s9 =	sadd.s32 $0x1, s8  }
.LBB2_4:
0xc: {  	v2 =	vnsel vm1, $0x0, v2  }
0xd: {  	vm1 =	vgt.s32 v0, $0x0;
	v2 =	vmin.u32 v2, $0x1FFF  }
0xe: {  	v0 =	vnsel vm1, $0x0, v0  }
0xf: {  	v0 =	vmin.u32 v0, $0x1FFF  }
0x10: {  	[tilespmem:s15], [sflag:$0x1] =	stream.indirect_vreg.gather [hbm4b:s4+s10], $0x1, v1, vm0, $0x4038;
	[tilespmem:$0x200] =	vst v63  }
0x11: {  	(ifvalue) =	ssetifvalue $0x7FFFFFFF  }
0x12: {  	[tilespmem:s16], [sflag:$0x1] =	stream.indirect_vreg.gather [hbm4b:s4+s10], $0x1, v2, vm0, $0x4038;
	[tilespmem:$0x200] =	vst v63  }
0x13: {  	s29 =	sadd.s32 $0x10, s16;
	(ifvalue) =	ssetifvalue $0x7FFFFFFF  }
0x14: {  	[tilespmem:s29], [sflag:$0x1] =	stream.indirect_vreg.gather [hbm4b:s4+s10], $0x1, v0, vm0, $0x4038;
	[tilespmem:$0x200] =	vst v63  }
0x15: {  	_ =	swait.ge [sflag:s6], $0x80  }
0x16: {  	s30 =	sshrl.u32 s13, $0x3;
	[sflag:s6] =	ssyncset.done $0x0  }
0x17: {  	s31 =	sand.u32 $0x7, s13;
	s15 =	sadd.s32 s2, s30;
	[sflag:s6] =	ssyncadd.s32 $0xFFFFFF80  }
0x18: {  	[hbm4b:s15+s31] =	stream.linear.scatter [tilespmem:s14], [sflag:$0x3], $0x80, $0x38;
	[tilespmem:$0x200] =	vst v63  }
.LBB2_5:
0x19: {  	s15 =	sadd.s32 $0x1000, s11  }
0x1a: {  	p2 =	sgt.s32 s15, $0x1FFF  }
0x1b: {  	s15 =	smov.u32 @p2 s3;
	p2 =	sne.s32 s12, s9  }
.Ltmp1:
0x1c: {  	p1 =	slt.u32 s12, $0x2;
	(pc) =	sbr.rel @!p2 .LBB2_6-.Ltmp1, $4  }
0x1d: {  	s14 =	simm.s32 @!p1 $0x3  }
0x1e: {  	s16 =	sadd.s32 $0x1, s12;
	_ =	swait.ge @!p1 [sflag:s14], $0x80  }
0x1f: {  	s13 =	smov.u32 s11;
	p0 =	por !p0, !p0;
	[sflag:s14] =	ssyncset.done @!p1 $0x0  }
0x20: {  	s12 =	smov.u32 s16;
	s11 =	smov.u32 s15;
	[sflag:s14] =	ssyncadd.s32 @!p1 $0xFFFFFF80  }
.LBB2_1:
0x21: {  	p1 =	sge.u32 s12, s8  }
0x22: {  	s14 =	sxor.u32 @!p1 $0xFFFFFFFF, s12  }
0x23: {  	s31 =	sadd.s32 $0xFFFFFFFF, s12;
	s15 =	sshrl.u32 @!p1 s11, $0x3;
	s14 =	sshll.u32 @!p1 s14, $0x7  }
0x24: {  	s16 =	sand.u32 @!p1 $0x7, s11;
	s15 =	sadd.s32 @!p1 s5, s15;
	s14 =	sand.u32 @!p1 $0x80, s14  }
0x25: {  	[tilespmem:s14], [sflag:$0x2] =	stream.linear.gather @!p1 [hbm4b:s15+s16], $0x80, $0x38;
	[tilespmem:$0x200] =	vst v63  }
0x26: {  	p1 =	sge.u32 s31, s8  }
.Ltmp2:
0x27: {  	_ = 	snop;
	(pc) =	sbr.rel @p1 .LBB2_5-.Ltmp2, $1  }
0x28: {  	_ =	sdelay $0x3  }
0x29: {  	s14 =	simm.s32 $0x1  }
0x2a: {  	_ =	swait.ge [sflag:s7], $0x80;
	s14 =	simm.s32 @!p0 $0x0  }
0x2b: {  	[sflag:s7] =	ssyncset.done $0x0;
	s14 =	sshll.u32 s14, $0x7  }
0x2c: {  	[sflag:s7] =	ssyncadd.s32 $0xFFFFFF80;
	(ifvalue) =	ssetifvalue $0x7FFFFFFF;
	v0 =	vld.msk [tilespmem:s14+$0x0 ss:$0x1], $0xffff;
	_ =	sdelay $0x4  }
0x2d: {  	s15 =	sadd.s32 $0x10, s14;
	vm1 =	vgt.s32 v0, $0x0  }
0x2e: {  	v2 =	vld.msk [tilespmem:s15+$0x0 ss:$0x1], $0xffff;
	v1 =	vnsel vm1, $0x0, v0  }
0x2f: {  	v1 =	vmin.u32 v1, $0x1FFF;
	_ =	sdelay $0x1  }
0x30: {  	s16 =	sshll.u32 s12, $0x7;
	s18 =	simm.s32 $0x20  }
0x31: {  	s16 =	sand.u32 $0x80, s16;
	s17 =	sadd.s32 $0x10, s15;
	s15 =	sor.u32 $0x100, s14  }
0x32: {  	s14 =	sor.u32 $0x100, s16;
	s16 =	sadd.s32 $0x10, s15;
	v0 =	vld.msk [tilespmem:s17+$0x0 ss:$0x1], $0xffff;
	vm1 =	vgt.s32 v2, $0x0;
	(ifvalue) =	ssetifvalue $0x7FFFFFFF  }
.LBB2_3:
0x33: {  	[tilespmem:s15], [sflag:$0x1] =	stream.indirect_vreg.gather [hbm4b:s4+s10], $0x1, v1, vm0, $0x4038;
	[tilespmem:$0x200] =	vst v63  }
0x34: {  	s18 =	sadd.s32 $0x10, s18  }
0x35: {  	v2 =	vnsel vm1, $0x0, v2;
	p1 =	slt.u32 s18, $0x70  }
.Ltmp3:
0x36: {  	s15 =	smov.u32 s16;
	v1 =	vmin.u32 v2, $0x1FFF;
	(pc) =	sbr.rel @p1 .LBB2_3-.Ltmp3, $3  }
0x37: {  	_ =	sdelay $0x1  }
0x38: {  	s17 =	sadd.s32 $0x10, s17  }
0x39: {  	vm1 =	vgt.s32 v0, $0x0;
	s16 =	sadd.s32 $0x10, s16;
	v2 =	vmov v0;
	(ifvalue) =	ssetifvalue $0x7FFFFFFF;
	v0 =	vld.msk [tilespmem:s17+$0x0 ss:$0x1], $0xffff  }
.Ltmp4:
0x3a: {  	_ = 	snop;
	(pc) =	sbr.rel .LBB2_4-.Ltmp4, $1  }
0x3b: {  	_ =	sdelay $0x3  }
.LBB2_6:
0x3c: {  	_ =	sfence.sel $0x180000  }
0x3d: {  	s2 =	simm.s32 $0x2;
	[bflag:$0x0] =	sbarrier.arrive $0xFFFF  }
0x3e: {  	s30 =	simm.s32 $0x3;
	[sflag:s2] =	ssyncpa.u1 $0x1  }
0x3f: {  	s31 =	simm.s32 $0x1;
	[sflag:s30] =	ssyncpa.u1 $0x1  }
0x40: {  	[sflag:s31] =	ssyncpa.u1 $0x1  }
0x41: {  	p0 =	sne.s32 s0, $0x0;
	_ =	strace $0x9000004D  }
0x42: {  	s0 =	sadd.s32 @!p0 $0x100000, s1;
	[bflag:$0x2] =	sbarrier.arrive $0xFFFF  }
0x43: {  	[sflag:s0] =	ssyncadd.tile.s32 @!p0 $0x1;
	_ =	shalt  }
.Lfunc_end2:
_tile_overlayer_lowered:
.L_overlay_start_2:
0x44: {  	(tag) =	ssettag $0x2  }
0x45: {  	s0 =	rddreg [dreg:$0x0];
	s2 =	stileid.u32  }
0x46: {  	s1 =	rddreg [dreg:$0x1];
	p0 =	sne.s32 s2, $0x0  }
0x47: {  	s3 =	rddreg [dreg:$0x2];
	[bflag:$0x3] =	sbarrier.arrive $0xFFFF;
	s2 =	simm.s32 @!p0 $0x1C01  }
0x48: {  	[timem:s3], [sflag:s2] =	dma.local @!p0 [hbm:s0], s1  }
0x49: {  	s0 =	simm.s32 @!p0 $0x1  }
0x4a: {  	_ =	swait.ge @!p0 [sflag:s0], s1  }
0x4b: {  	s1 =	ssub.s32 @!p0 $0x0, s1;
	[sflag:s0] =	ssyncset.done @!p0 $0x0  }
0x4c: {  	[sflag:s0] =	ssyncadd.s32 @!p0 s1  }
0x4d: {  	[bflag:$0x3] =	sbarrier.arrive $0xFFFF  }
0x4e: {  	_ =	shalt  }

// kernel: gather_offload_async_start.2
scs
__scs_entry_jumppad:
0x0: {  	(pc) =	sbr.rel $0x88, $3  }
0x1: {  	(tag) =	ssettag $0x0;
	lr =	simm.s32 $0x1  }
0x2: {  	[smem:$0x3F85] =	sst lr;
	_ =	strace $0xD0000000  }
0x3: {  	_ = 	snop  }
0x4: {  	_ = 	snop  }
0x5: {  	_ = 	snop  }
0x6: {  	_ = 	snop  }
0x7: {  	_ = 	snop  }
__scs_overlays_trampoline_lowered:
0x8: {  	[smem:$0x3F94] =	sst s0  }
0x9: {  	[smem:$0x3F95] =	sst s1  }
0xa: {  	[smem:$0x3F96] =	sst s2  }
0xb: {  	[smem:$0x3F97] =	sst s3  }
0xc: {  	[smem:$0x3F98] =	sst s4  }
0xd: {  	[smem:$0x3F99] =	sst s5  }
0xe: {  	[smem:$0x3F9A] =	sst s6  }
0xf: {  	[smem:$0x3F9B] =	sst s7  }
0x10: {  	[smem:$0x3F9C] =	sst s8  }
0x11: {  	[smem:$0x3F9D] =	sst s9;
	s0 =	simm.s32 @!p0 $0x0  }
0x12: {  	s1 =	sld [smem:$0x3F83];
	s0 =	simm.s32 @p0 $0x1  }
0x13: {  	[smem:$0x3F9E] =	sst s0;
	s0 =	simm.s32 @!p1 $0x0  }
0x14: {  	s2 =	sld [smem:$0x3F82];
	s0 =	simm.s32 @p1 $0x1  }
0x15: {  	[smem:$0x3F9F] =	sst s0;
	s0 =	simm.s32 @!p2 $0x0  }
0x16: {  	s3 =	sld [smem:$0x3FDB];
	s0 =	simm.s32 @p2 $0x1  }
0x17: {  	s4 =	simm.s32 $0x1BF5;
	[smem:$0x3FA1] =	sst s0  }
0x18: {  	s0 =	sld [smem:$0x3F84];
	_ =	swait.ge [sflag:s4], $0x0  }
0x19: {  	s7 =	sld [smem:$0x3F85]  }
0x1a: {  	s8 =	sadd.s32 $0xFFFFE003, lr  }
0x1b: {  	s9 =	sadd.s32 $0xFFFFFEF7, lr;
	s5 =	simm.s32 $0xFFFFFFFF;
	p2 =	slt.u32 s8, $0xFFFFF086  }
0x1c: {  	p1 =	slt.u32 s9, $0xF7A;
	s5 =	simm.s32 @!p2 $0x0  }
0x1d: {  	s5 =	simm.s32 @p1 $0x1;
	p0 =	seq.s32 s7, s2  }
0x1e: {  	s7 =	smul.u32 @!p0 $0xF7A, s2;
	p2 =	seq.s32 @!p0 s5, $0x0  }
0x1f: {  	s9 =	smul.u32 $0xF7A, s1;
	s8 =	simm.s32 @!p0 $0x1BF5;
	p2 =	por !p2, p0  }
0x20: {  	[sflag:s8] =	ssyncset.s32 @!p0 $0xFFFFF086;
	s6 =	sadd.s32 @!p0 s3, s7;
	s7 =	simm.s32 @!p0 $0x108  }
0x21: {  	s3 =	sadd.s32 s3, s9;
	s6 =	sadd.s32 @!p0 $0x88, s6;
	s7 =	simm.s32 @p2 $0x1082  }
0x22: {  	[simem:s7], [sflag:s8] =	dma.local @!p0 [hbm:s6], $0xF7A  }
0x23: {  	s9 =	sor.u32 $0xD0000000, s2;
	s6 =	simm.s32 $0x108;
	_ =	swait.ge @!p0 [sflag:s8], $0x0  }
0x24: {  	s3 =	sadd.s32 $0x88, s3;
	s6 =	simm.s32 @!p1 $0x1082;
	[sflag:s4] =	ssyncset.s32 $0xFFFFF086  }
0x25: {  	[simem:s6], [sflag:s4] =	dma.local [hbm:s3], $0xF7A  }
0x26: {  	[smem:$0x3F85] =	sst s1;
	(tag) =	ssettag s2;
	_ =	strace s9  }
0x27: {  	s1 =	sld [smem:$0x3F95]  }
0x28: {  	s2 =	sld [smem:$0x3F96]  }
0x29: {  	s4 =	sld [smem:$0x3F98]  }
0x2a: {  	p0 =	seq.s32 s5, $0x0;
	s5 =	sld [smem:$0x3F99]  }
0x2b: {  	s6 =	sld [smem:$0x3F9A]  }
0x2c: {  	s7 =	sld [smem:$0x3F9B]  }
0x2d: {  	s3 =	simm.s32 $0x108;
	s8 =	sld [smem:$0x3F9C]  }
0x2e: {  	s3 =	simm.s32 @!p0 $0x1082;
	s9 =	sld [smem:$0x3F9D]  }
0x2f: {  	lr =	sadd.s32 s0, s3;
	s0 =	sld [smem:$0x3F94]  }
0x30: {  	s3 =	sld [smem:$0x3F97]  }
0x31: {  	[smem:$0x3FA0] =	sst s10  }
0x32: {  	s10 =	sld [smem:$0x3F9E];
	_ =	sdelay $0x3  }
0x33: {  	p0 =	seq.s32 s10, $0x1;
	s10 =	sld [smem:$0x3FA0];
	_ =	sdelay $0x3  }
0x34: {  	[smem:$0x3FA0] =	sst s10  }
0x35: {  	s10 =	sld [smem:$0x3F9F];
	_ =	sdelay $0x3  }
0x36: {  	p1 =	seq.s32 s10, $0x1;
	s10 =	sld [smem:$0x3FA0];
	_ =	sdelay $0x3  }
0x37: {  	[smem:$0x3FA0] =	sst s10  }
0x38: {  	s10 =	sld [smem:$0x3FA1]  }
0x39: {  	_ = 	snop;
	(pc) =	sbr.ind lr, $3  }
0x3a: {  	_ = 	snop  }
0x3b: {  	_ = 	snop  }
0x3c: {  	p2 =	seq.s32 s10, $0x1;
	s10 =	sld [smem:$0x3FA0]  }
0x3d: {  	_ =	shalt  }
0x3e: {  	_ =	shalt  }
0x3f: {  	_ =	shalt  }
0x40: {  	_ =	shalt  }
0x41: {  	_ =	shalt  }
0x42: {  	_ =	shalt  }
0x43: {  	_ =	shalt  }
0x44: {  	_ =	shalt  }
0x45: {  	_ =	shalt  }
0x46: {  	_ =	shalt  }
0x47: {  	_ =	shalt  }
0x48: {  	_ =	shalt  }
0x49: {  	_ =	shalt  }
0x4a: {  	_ =	shalt  }
0x4b: {  	_ =	shalt  }
0x4c: {  	_ =	shalt  }
0x4d: {  	_ =	shalt  }
0x4e: {  	_ =	shalt  }
0x4f: {  	_ =	shalt  }
0x50: {  	_ =	shalt  }
0x51: {  	_ =	shalt  }
0x52: {  	_ =	shalt  }
0x53: {  	_ =	shalt  }
0x54: {  	_ =	shalt  }
0x55: {  	_ =	shalt  }
0x56: {  	_ =	shalt  }
0x57: {  	_ =	shalt  }
0x58: {  	_ =	shalt  }
0x59: {  	_ =	shalt  }
0x5a: {  	_ =	shalt  }
0x5b: {  	_ =	shalt  }
0x5c: {  	_ =	shalt  }
0x5d: {  	_ =	shalt  }
0x5e: {  	_ =	shalt  }
0x5f: {  	_ =	shalt  }
0x60: {  	_ =	shalt  }
0x61: {  	_ =	shalt  }
0x62: {  	_ =	shalt  }
0x63: {  	_ =	shalt  }
0x64: {  	_ =	shalt  }
0x65: {  	_ =	shalt  }
0x66: {  	_ =	shalt  }
0x67: {  	_ =	shalt  }
0x68: {  	_ =	shalt  }
0x69: {  	_ =	shalt  }
0x6a: {  	_ =	shalt  }
0x6b: {  	_ =	shalt  }
0x6c: {  	_ =	shalt  }
0x6d: {  	_ =	shalt  }
0x6e: {  	_ =	shalt  }
0x6f: {  	_ =	shalt  }
0x70: {  	_ =	shalt  }
0x71: {  	_ =	shalt  }
0x72: {  	_ =	shalt  }
0x73: {  	_ =	shalt  }
0x74: {  	_ =	shalt  }
0x75: {  	_ =	shalt  }
0x76: {  	_ =	shalt  }
0x77: {  	_ =	shalt  }
0x78: {  	_ =	shalt  }
0x79: {  	_ =	shalt  }
0x7a: {  	_ =	shalt  }
0x7b: {  	_ =	shalt  }
0x7c: {  	_ =	shalt  }
0x7d: {  	_ =	shalt  }
0x7e: {  	_ =	shalt  }
0x7f: {  	_ =	shalt  }
0x80: {  	_ =	shalt  }
0x81: {  	_ =	shalt  }
0x82: {  	_ =	shalt  }
0x83: {  	_ =	shalt  }
0x84: {  	_ =	shalt  }
0x85: {  	_ =	shalt  }
0x86: {  	_ =	shalt  }
0x87: {  	_ =	shalt  }
.Lfunc_end0:
.L_simem_size_0:
called_computation.3_lowered:
.L_overlay_start_0:
0x88: {  	s2 =	sld [smem:$0x3FD9]  }
0x89: {  	s3 =	sld [smem:$0x3FFE];
	_ =	sdelay $0x1  }
0x8a: {  	s1 =	srdreg.scid  }
0x8b: {  	s0 =	sand.u32 $0x1, s1  }
0x8c: {  	s15 =	sshll.u32 s0, $0xA;
	s2 =	sadd.s32 s3, s2  }
0x8d: {  	s2 =	sadd.s32 s2, s15  }
0x8e: {  	[smem:$0x3FAC] =	sst s2  }
0x8f: {  	_ = 	snop  }
0x90: {  	s2 =	sld [smem:$0x3FD0];
	_ =	sdelay $0x2  }
0x91: {  	s16 =	simm.s32 $0xB;
	s4 =	simm.s32 $0x10  }
0x92: {  	[smem:s4], [sflag:s16] =	dma.local [hbm:s2], $0x1  }
0x93: {  	_ =	swait.eq [sflag:s16], $0x1  }
0x94: {  	[sflag:s16] =	ssyncset.done $0x0  }
0x95: {  	[sflag:s16] =	ssyncadd.s32 $0xFFFFFFFF  }
0x96: {  	s17 =	sld [smem:$0x10];
	(tm) =	ssettm $0x1  }
0x97: {  	s18 =	sld [smem:$0x3FFB];
	_ =	sdelay $0x3  }
0x98: {  	_ =	strace s18  }
0x99: {  	s2 =	sld [smem:$0x3FFC];
	_ =	sdelay $0x3  }
0x9a: {  	_ =	strace s2  }
0x9b: {  	s2 =	sld [smem:$0x3FFD];
	_ =	sdelay $0x3  }
0x9c: {  	_ =	strace s2  }
0x9d: {  	_ =	strace $0x8FFFFFFF  }
0x9e: {  	s19 =	sld [smem:$0x3FDB];
	_ =	sdelay $0x1  }
0x9f: {  	s20 =	simm.s32 $_scs_section_size  }
0xa0: {  	s5 =	simm.s32 $_size__tile_overlayer_lowered;
	s6 =	simm.s32 $_tile_overlayer_lowered  }
0xa1: {  	s7 =	simm.s32 $0x1BFF;
	s21 =	sshll.u32 s6, $0x1;
	s4 =	sadd.s32 s20, s19  }
0xa2: {  	s22 =	simm.s32 $0x0;
	s5 =	sshll.u32 s5, $0x1;
	s6 =	sadd.s32 s21, s4  }
0xa3: {  	[timem:s22], [sflag:s7] =	dma.local [hbm:s6], s5  }
0xa4: {  	_ =	swait.ge [sflag:s7], s5  }
0xa5: {  	s5 =	ssub.s32 $0x0, s5;
	[sflag:s7] =	ssyncset.done $0x0  }
0xa6: {  	[sflag:s7] =	ssyncadd.s32 s5;
	_ =	sdelay $0x1  }
0xa7: {  	s23 =	simm.s32 $0x1B8B  }
0xa8: {  	_ =	swait.ge [sflag:s23], $0x1  }
0xa9: {  	[sflag:s23] =	ssyncset.done $0x0  }
0xaa: {  	[sflag:s23] =	ssyncadd.s32 $0xFFFFFFFF  }
0xab: {  	s5 =	sld [smem:$0x0]  }
0xac: {  	s6 =	sand.u32 $0xFFFFFFFE, s1  }
0xad: {  	p0 =	sne.s32 s1, s6  }
0xae: {  	s6 =	sshll.u32 @p0 s6, $0xE  }
0xaf: {  	s6 =	sadd.s32 @p0 $0x11B8D, s6;
	s7 =	sshll.u32 @p0 s5, $0x11  }
0xb0: {  	s6 =	sor.u32 @p0 s7, s6  }
0xb1: {  	[sflag:s6] =	ssyncadd.remote.s32 @p0 $0x1;
	_ =	sdelay $0x1  }
0xb2: {  	s6 =	simm.s32 @p0 $0x1B8D  }
0xb3: {  	_ =	swait.eq @p0 [sflag:s6], $0x1  }
0xb4: {  	[sflag:s6] =	ssyncadd.s32 @p0 $0xFFFFFFFF  }
0xb5: {  	s7 =	sshll.u32 @!p0 s1, $0xE  }
0xb6: {  	s7 =	sor.u32 @!p0 $0x4000, s7;
	s6 =	simm.s32 @!p0 $0x1B8D  }
0xb7: {  	s5 =	sshll.u32 @!p0 s5, $0x11;
	s7 =	sadd.s32 @!p0 $0x11B8D, s7;
	_ =	swait.eq @!p0 [sflag:s6], $0x1  }
0xb8: {  	s5 =	sor.u32 @!p0 s5, s7;
	[sflag:s6] =	ssyncadd.s32 @!p0 $0xFFFFFFFF  }
0xb9: {  	s25 =	simm.s32 $0x1B8E;
	s24 =	sld [smem:$0x3FFE];
	[sflag:s5] =	ssyncadd.remote.s32 @!p0 $0x1  }
0xba: {  	s26 =	simm.s32 $execute0_lowered;
	[smem:$0x3FD2] =	sst s25  }
0xbb: {  	s6 =	sshll.u32 s26, $0x1;
	_ =	strace $0x80000052;
	[dreg:$0x1] =	wrdreg $0xFFFFFFFF  }
0xbc: {  	s28 =	simm.s32 $_size_execute0_lowered;
	s4 =	sadd.s32 s4, s6;
	[dreg:$0x0] =	wrdreg $0x0  }
0xbd: {  	s6 =	sshll.u32 s28, $0x1;
	[dreg:$0x2] =	wrdreg s4  }
0xbe: {  	[dreg:$0x3] =	wrdreg s6  }
0xbf: {  	[dreg:$0x4] =	wrdreg $0xC0  }
0xc0: {  	_ =	task [dreg:s22], $0x5FFFF  }
0xc1: {  	[dreg:$0x1] =	wrdreg $0xFFFFFFFF  }
0xc2: {  	[dreg:$0x0] =	wrdreg $0x60  }
0xc3: {  	[dreg:$0x2] =	wrdreg s24  }
0xc4: {  	[dreg:$0x3] =	wrdreg s17  }
0xc5: {  	[dreg:$0x4] =	wrdreg $0x9  }
0xc6: {  	_ =	task.clear_ibuf [dreg:s22], $0x5FFFF;
	_ =	strace $0x90000052  }
0xc7: {  	s29 =	simm.s32 $0x9;
	_ =	strace $0x80000054  }
0xc8: {  	_ =	swait.ge [sflag:s29], $0x1  }
0xc9: {  	[sflag:s29] =	ssyncadd.s32 $0xFFFFFFFF  }
0xca: {  	_ =	strace $0x90000054  }
0xcb: {  	_ =	sfence  }
0xcc: {  	s30 =	sld [smem:$0x0];
	_ =	sdelay $0x2  }
0xcd: {  	s31 =	sshll.u32 s1, $0xD;
	s1 =	sshrl.u32 s1, $0x2  }
0xce: {  	s4 =	sand.u32 $0x4000, s31;
	s1 =	sadd.s32 s1, s30  }
0xcf: {  	s0 =	sor.u32 s4, s0;
	s1 =	sshll.u32 s1, $0x11  }
0xd0: {  	s0 =	sor.u32 s1, s0  }
0xd1: {  	s0 =	sadd.s32 $0x8F2B, s0  }
0xd2: {  	[sflag:s0] =	ssyncadd.remote.s32 $0x1  }
0xd3: {  	_ =	sfence.sel $0xFFFF  }
0xd4: {  	[dreg:$0x0] =	wrdreg $0xFFFFFFFF;
	(pc) =	sbr.abs _section_cstart, $3  }
0xd5: {  	[dreg:$0x1] =	wrdreg $0xFFFFFFFF  }
0xd6: {  	_ =	task.clear_ibuf [dreg:s22], $0x2FFFF;
	_ =	strace $0x9FFFFFFF  }
0xd7: {  	(tm) =	ssettm $0x7FFFFFFF  }
tec
execute0_lowered:
.L_overlay_start_1:
0x0: {  	(tag) =	ssettag $0x1  }
0x1: {  	s7 =	rddreg [dreg:$0x0]  }
0x2: {  	s2 =	rddreg [dreg:$0x1]  }
0x3: {  	s0 =	rddreg [dreg:$0x2]  }
0x4: {  	s1 =	srdreg.scid;
	_ =	strace $0x80000053;
	s4 =	simm.s32 $0x1  }
0x5: {  	s9 =	simm.s32 $0x3;
	s11 =	simm.s32 $0x0;
	s5 =	sshll.u32 s1, $0x4  }
.Ltmp0:
0x6: {  	s1 =	stileid.u32;
	s5 =	sand.u32 $0x10, s5;
	(pc) =	sbr.rel .LBB2_1-.Ltmp0, $4  }
0x7: {  	p0 =	por $0x0, $0x0;
	s3 =	sadd.s32 $0x160A00, s7;
	s6 =	sor.u32 s1, s5  }
0x8: {  	[sflag:s4] =	ssyncpa.u1 $0x0;
	s5 =	simm.s32 $0x2;
	s6 =	sshll.u32 s6, $0x7  }
0x9: {  	s7 =	sadd.s32 $0x200, s7;
	[sflag:s5] =	ssyncpa.u1 $0x0;
	s8 =	sadd.s32 $0x80, s6  }
0xa: {  	vm0 =	vmmov $0xff;
	vm1 =	vcmask $0x3F20;
	[sflag:s9] =	ssyncpa.u1 $0x0;
	s10 =	smov.u32 s6;
	s9 =	simm.s32 $0x0  }
.LBB2_9:
0xb: {  	p1 =	slt.u32 s9, $0x2;
	s11 =	sadd.s32 $0x20, s10  }
0xc: {  	s13 =	smov.u32 s6;
	s9 =	sadd.s32 $0x1, s9;
	p2 =	slt.s32 s11, s8  }
0xd: {  	s13 =	smov.u32 @p2 s11;
	p2 =	sne.s32 s9, $0x6  }
.Ltmp1:
0xe: {  	_ = 	snop;
	(pc) =	sbr.rel @!p2 .LBB2_10-.Ltmp1, $4  }
0xf: {  	s12 =	simm.s32 @!p1 $0x3  }
0x10: {  	_ =	swait.ge @!p1 [sflag:s12], $0x8000  }
0x11: {  	p0 =	por !p0, !p0;
	[sflag:s12] =	ssyncset.done @!p1 $0x0  }
0x12: {  	s11 =	smov.u32 s10;
	s10 =	smov.u32 s13;
	[sflag:s12] =	ssyncadd.s32 @!p1 $0xFFFF8000  }
.LBB2_1:
0x13: {  	p1 =	sgt.u32 s9, $0x3  }
0x14: {  	s12 =	sxor.u32 @!p1 $0xFFFFFFFF, s9  }
0x15: {  	s13 =	sshrl.u32 @!p1 s10, $0x3;
	s12 =	sshll.u32 @!p1 s12, $0x5  }
0x16: {  	s14 =	sand.u32 @!p1 $0x7, s10;
	s13 =	sadd.s32 @!p1 s7, s13;
	s12 =	sand.u32 @!p1 $0x20, s12  }
0x17: {  	[tilespmem:s12], [sflag:$0x2] =	stream.linear.gather @!p1 [hbm4b:s13+s14], $0x20, $0x38;
	[tilespmem:$0x10040] =	vst v63  }
0x18: {  	p1 =	seq.s32 s9, $0x0  }
0x19: {  	p2 =	seq.s32 @!p1 s9, $0x5  }
0x1a: {  	p1 =	por p1, p2  }
.Ltmp2:
0x1b: {  	_ = 	snop;
	(pc) =	sbr.rel @p1 .LBB2_9-.Ltmp2, $1  }
0x1c: {  	_ =	sdelay $0x3  }
0x1d: {  	s12 =	simm.s32 $0x1  }
0x1e: {  	_ =	swait.ge [sflag:s5], $0x20;
	s13 =	sand.u32 $0x1, s9;
	s12 =	simm.s32 @!p0 $0x0  }
0x1f: {  	s15 =	simm.s32 $0x0;
	p2 =	por $0x1, $0x1;
	s12 =	sshll.u32 s12, $0x11  }
0x20: {  	[sflag:s5] =	ssyncset.done $0x0;
	s13 =	sshll.u32 s13, $0x5;
	s14 =	sshrl.u32 s12, $0x2  }
0x21: {  	[sflag:s5] =	ssyncadd.s32 $0xFFFFFFE0;
	s12 =	sor.u32 $0x40, s14;
	s14 =	sadd.s32 $0x40, s14  }
.LBB2_3:
0x22: {  	s16 =	sshll.u32 s15, $0x4  }
0x23: {  	s16 =	sand.u32 $0x3FFFFFF0, s16  }
0x24: {  	s16 =	sadd.s32 s16, s13  }
0x25: {  	v0 =	vld.msk [tilespmem:s16+$0x0 ss:$0x1], $0xffff;
	_ =	sdelay $0x4  }
0x26: {  	vm2 =	vgt.s32 v0, $0x0  }
0x27: {  	v0 =	vnsel vm2, $0x0, v0  }
0x28: {  	v0 =	vmin.u32 v0, $0x27FF  }
0x29: {  	v1 =	vshll.u32 v0, $0x7;
	v0 =	vshll.u32 v0, $0x4  }
0x2a: {  	v1 =	vand.u32 $0x1FFC00, v1;
	v0 =	vand.u32 $0x70, v0  }
0x2b: {  	v0 =	vor.u32 v0, v1  }
0x2c: {  	s31 =	sshll.u32 s15, $0x10  }
0x2d: {  	s15 =	sshra.s32 s31, $0x2  }
0x2e: {  	s15 =	sadd.s32 s15, s14  }
0x2f: {  	s17 =	sadd.s32 $0x0, s15  }
0x30: {  	[tilespmem:s17], [sflag:$0x1] =	stream.indirect_vreg.gather [hbm:s3], $0x80, v0, vm0, $0x38;
	[tilespmem:$0x10040] =	vst v63  }
0x31: {  	p1 =	por p2, p2;
	s16 =	simm.s32 $0x1000;
	v1 =	vadd.s32 $0x80, v0;
	s17 =	sadd.s32 $0x2000, s17  }
.LBB2_4:
0x32: {  	[tilespmem:s17], [sflag:$0x1] =	stream.indirect_vreg.gather [hbm:s3], $0x80, v0, vm1, $0x38;
	[tilespmem:$0x10040] =	vst v63  }
0x33: {  	v0 =	vmov v1;
	s17 =	smov.u32 s16;
	p2 =	sne.s32 s16, $0x7000  }
.Ltmp3:
0x34: {  	s16 =	sadd.s32 $0x1000, s16;
	(pc) =	sbr.rel @p2 .LBB2_4-.Ltmp3, $4  }
0x35: {  	s17 =	sshra.s32 s17, $0x2  }
0x36: {  	s17 =	sadd.s32 s17, s15  }
0x37: {  	[tilespmem:s17], [sflag:$0x1] =	stream.indirect_vreg.gather [hbm:s3], $0x80, v1, vm0, $0x38;
	[tilespmem:$0x10040] =	vst v63  }
0x38: {  	s17 =	sadd.s32 $0x2000, s17;
	v1 =	vadd.s32 $0x80, v1  }
0x39: {  	_ = 	snop  }
.Ltmp4:
0x3a: {  	_ = 	snop;
	(pc) =	sbr.rel @p1 .LBB2_3-.Ltmp4, $3  }
0x3b: {  	_ =	sdelay $0x1  }
0x3c: {  	[tilespmem:s17], [sflag:$0x1] =	stream.indirect_vreg.gather [hbm:s3], $0x80, v0, vm1, $0x38;
	[tilespmem:$0x10040] =	vst v63  }
0x3d: {  	s15 =	simm.s32 $0x1;
	p2 =	por $0x0, $0x0  }
0x3e: {  	s13 =	sshll.u32 s11, $0x7  }
0x3f: {  	s31 =	sshll.u32 s11, $0x4;
	s13 =	sand.u32 $0xFFFFFC00, s13  }
0x40: {  	_ =	swait.ge [sflag:s4], $0x8000;
	s11 =	sand.u32 $0x70, s31;
	s13 =	sadd.s32 s13, s2  }
0x41: {  	s14 =	sadd.s32 $0x2000, s12;
	[sflag:s4] =	ssyncset.done $0x0;
	s11 =	sadd.s32 s11, s13  }
0x42: {  	[sflag:s4] =	ssyncadd.s32 $0xFFFF8000;
	s13 =	simm.s32 $0x400;
	s15 =	sadd.s32 $0x0, s11  }
.LBB2_7:
0x43: {  	[hbm:s15] =	stream.linear.scatter [tilespmem:s12], [sflag:$0x3], $0x2000, $0x38;
	[tilespmem:$0x10040] =	vst v63  }
0x44: {  	s15 =	smov.u32 s13;
	s12 =	smov.u32 s14;
	p1 =	sne.s32 s13, $0xC00  }
.Ltmp5:
0x45: {  	s13 =	sadd.s32 $0x400, s13;
	(pc) =	sbr.rel @p1 .LBB2_7-.Ltmp5, $2  }
0x46: {  	_ =	sdelay $0x2  }
0x47: {  	s14 =	sadd.s32 $0x2000, s14;
	s15 =	sadd.s32 s15, s11  }
.Ltmp6:
0x48: {  	(pc) =	sbr.rel .LBB2_9-.Ltmp6, $2  }
0x49: {  	_ =	sdelay $0x2  }
0x4a: {  	[hbm:s15] =	stream.linear.scatter [tilespmem:s12], [sflag:$0x3], $0x2000, $0x38;
	[tilespmem:$0x10040] =	vst v63  }
.LBB2_10:
0x4b: {  	_ =	sfence.sel $0x180000  }
0x4c: {  	s2 =	simm.s32 $0x2;
	[bflag:$0x0] =	sbarrier.arrive $0xFFFF  }
0x4d: {  	s30 =	simm.s32 $0x3;
	[sflag:s2] =	ssyncpa.u1 $0x1  }
0x4e: {  	s31 =	simm.s32 $0x1;
	[sflag:s30] =	ssyncpa.u1 $0x1  }
0x4f: {  	[sflag:s31] =	ssyncpa.u1 $0x1  }
0x50: {  	p0 =	sne.s32 s1, $0x0;
	_ =	strace $0x90000053  }
0x51: {  	s0 =	sadd.s32 @!p0 $0x100000, s0;
	[bflag:$0x2] =	sbarrier.arrive $0xFFFF  }
0x52: {  	[sflag:s0] =	ssyncadd.tile.s32 @!p0 $0x1;
	_ =	shalt  }
.Lfunc_end2:
_tile_overlayer_lowered:
.L_overlay_start_2:
0x53: {  	(tag) =	ssettag $0x2  }
0x54: {  	s0 =	rddreg [dreg:$0x0];
	s2 =	stileid.u32  }
0x55: {  	s1 =	rddreg [dreg:$0x1];
	p0 =	sne.s32 s2, $0x0  }
0x56: {  	s3 =	rddreg [dreg:$0x2];
	[bflag:$0x3] =	sbarrier.arrive $0xFFFF;
	s2 =	simm.s32 @!p0 $0x1C01  }
0x57: {  	[timem:s3], [sflag:s2] =	dma.local @!p0 [hbm:s0], s1  }
0x58: {  	s0 =	simm.s32 @!p0 $0x1  }
0x59: {  	_ =	swait.ge @!p0 [sflag:s0], s1  }
0x5a: {  	s1 =	ssub.s32 @!p0 $0x0, s1;
	[sflag:s0] =	ssyncset.done @!p0 $0x0  }
0x5b: {  	[sflag:s0] =	ssyncadd.s32 @!p0 s1  }
0x5c: {  	[bflag:$0x3] =	sbarrier.arrive $0xFFFF  }
0x5d: {  	_ =	shalt  }

// kernel: gather_offload_async_start.3
scs
__scs_entry_jumppad:
0x0: {  	(pc) =	sbr.rel $0x88, $3  }
0x1: {  	(tag) =	ssettag $0x0;
	lr =	simm.s32 $0x1  }
0x2: {  	[smem:$0x3F85] =	sst lr;
	_ =	strace $0xD0000000  }
0x3: {  	_ = 	snop  }
0x4: {  	_ = 	snop  }
0x5: {  	_ = 	snop  }
0x6: {  	_ = 	snop  }
0x7: {  	_ = 	snop  }
__scs_overlays_trampoline_lowered:
0x8: {  	[smem:$0x3F94] =	sst s0  }
0x9: {  	[smem:$0x3F95] =	sst s1  }
0xa: {  	[smem:$0x3F96] =	sst s2  }
0xb: {  	[smem:$0x3F97] =	sst s3  }
0xc: {  	[smem:$0x3F98] =	sst s4  }
0xd: {  	[smem:$0x3F99] =	sst s5  }
0xe: {  	[smem:$0x3F9A] =	sst s6  }
0xf: {  	[smem:$0x3F9B] =	sst s7  }
0x10: {  	[smem:$0x3F9C] =	sst s8  }
0x11: {  	[smem:$0x3F9D] =	sst s9;
	s0 =	simm.s32 @!p0 $0x0  }
0x12: {  	s1 =	sld [smem:$0x3F83];
	s0 =	simm.s32 @p0 $0x1  }
0x13: {  	[smem:$0x3F9E] =	sst s0;
	s0 =	simm.s32 @!p1 $0x0  }
0x14: {  	s2 =	sld [smem:$0x3F82];
	s0 =	simm.s32 @p1 $0x1  }
0x15: {  	[smem:$0x3F9F] =	sst s0;
	s0 =	simm.s32 @!p2 $0x0  }
0x16: {  	s3 =	sld [smem:$0x3FDB];
	s0 =	simm.s32 @p2 $0x1  }
0x17: {  	s4 =	simm.s32 $0x1BF5;
	[smem:$0x3FA1] =	sst s0  }
0x18: {  	s0 =	sld [smem:$0x3F84];
	_ =	swait.ge [sflag:s4], $0x0  }
0x19: {  	s7 =	sld [smem:$0x3F85]  }
0x1a: {  	s8 =	sadd.s32 $0xFFFFE003, lr  }
0x1b: {  	s9 =	sadd.s32 $0xFFFFFEF7, lr;
	s5 =	simm.s32 $0xFFFFFFFF;
	p2 =	slt.u32 s8, $0xFFFFF086  }
0x1c: {  	p1 =	slt.u32 s9, $0xF7A;
	s5 =	simm.s32 @!p2 $0x0  }
0x1d: {  	s5 =	simm.s32 @p1 $0x1;
	p0 =	seq.s32 s7, s2  }
0x1e: {  	s7 =	smul.u32 @!p0 $0xF7A, s2;
	p2 =	seq.s32 @!p0 s5, $0x0  }
0x1f: {  	s9 =	smul.u32 $0xF7A, s1;
	s8 =	simm.s32 @!p0 $0x1BF5;
	p2 =	por !p2, p0  }
0x20: {  	[sflag:s8] =	ssyncset.s32 @!p0 $0xFFFFF086;
	s6 =	sadd.s32 @!p0 s3, s7;
	s7 =	simm.s32 @!p0 $0x108  }
0x21: {  	s3 =	sadd.s32 s3, s9;
	s6 =	sadd.s32 @!p0 $0x88, s6;
	s7 =	simm.s32 @p2 $0x1082  }
0x22: {  	[simem:s7], [sflag:s8] =	dma.local @!p0 [hbm:s6], $0xF7A  }
0x23: {  	s9 =	sor.u32 $0xD0000000, s2;
	s6 =	simm.s32 $0x108;
	_ =	swait.ge @!p0 [sflag:s8], $0x0  }
0x24: {  	s3 =	sadd.s32 $0x88, s3;
	s6 =	simm.s32 @!p1 $0x1082;
	[sflag:s4] =	ssyncset.s32 $0xFFFFF086  }
0x25: {  	[simem:s6], [sflag:s4] =	dma.local [hbm:s3], $0xF7A  }
0x26: {  	[smem:$0x3F85] =	sst s1;
	(tag) =	ssettag s2;
	_ =	strace s9  }
0x27: {  	s1 =	sld [smem:$0x3F95]  }
0x28: {  	s2 =	sld [smem:$0x3F96]  }
0x29: {  	s4 =	sld [smem:$0x3F98]  }
0x2a: {  	p0 =	seq.s32 s5, $0x0;
	s5 =	sld [smem:$0x3F99]  }
0x2b: {  	s6 =	sld [smem:$0x3F9A]  }
0x2c: {  	s7 =	sld [smem:$0x3F9B]  }
0x2d: {  	s3 =	simm.s32 $0x108;
	s8 =	sld [smem:$0x3F9C]  }
0x2e: {  	s3 =	simm.s32 @!p0 $0x1082;
	s9 =	sld [smem:$0x3F9D]  }
0x2f: {  	lr =	sadd.s32 s0, s3;
	s0 =	sld [smem:$0x3F94]  }
0x30: {  	s3 =	sld [smem:$0x3F97]  }
0x31: {  	[smem:$0x3FA0] =	sst s10  }
0x32: {  	s10 =	sld [smem:$0x3F9E];
	_ =	sdelay $0x3  }
0x33: {  	p0 =	seq.s32 s10, $0x1;
	s10 =	sld [smem:$0x3FA0];
	_ =	sdelay $0x3  }
0x34: {  	[smem:$0x3FA0] =	sst s10  }
0x35: {  	s10 =	sld [smem:$0x3F9F];
	_ =	sdelay $0x3  }
0x36: {  	p1 =	seq.s32 s10, $0x1;
	s10 =	sld [smem:$0x3FA0];
	_ =	sdelay $0x3  }
0x37: {  	[smem:$0x3FA0] =	sst s10  }
0x38: {  	s10 =	sld [smem:$0x3FA1]  }
0x39: {  	_ = 	snop;
	(pc) =	sbr.ind lr, $3  }
0x3a: {  	_ = 	snop  }
0x3b: {  	_ = 	snop  }
0x3c: {  	p2 =	seq.s32 s10, $0x1;
	s10 =	sld [smem:$0x3FA0]  }
0x3d: {  	_ =	shalt  }
0x3e: {  	_ =	shalt  }
0x3f: {  	_ =	shalt  }
0x40: {  	_ =	shalt  }
0x41: {  	_ =	shalt  }
0x42: {  	_ =	shalt  }
0x43: {  	_ =	shalt  }
0x44: {  	_ =	shalt  }
0x45: {  	_ =	shalt  }
0x46: {  	_ =	shalt  }
0x47: {  	_ =	shalt  }
0x48: {  	_ =	shalt  }
0x49: {  	_ =	shalt  }
0x4a: {  	_ =	shalt  }
0x4b: {  	_ =	shalt  }
0x4c: {  	_ =	shalt  }
0x4d: {  	_ =	shalt  }
0x4e: {  	_ =	shalt  }
0x4f: {  	_ =	shalt  }
0x50: {  	_ =	shalt  }
0x51: {  	_ =	shalt  }
0x52: {  	_ =	shalt  }
0x53: {  	_ =	shalt  }
0x54: {  	_ =	shalt  }
0x55: {  	_ =	shalt  }
0x56: {  	_ =	shalt  }
0x57: {  	_ =	shalt  }
0x58: {  	_ =	shalt  }
0x59: {  	_ =	shalt  }
0x5a: {  	_ =	shalt  }
0x5b: {  	_ =	shalt  }
0x5c: {  	_ =	shalt  }
0x5d: {  	_ =	shalt  }
0x5e: {  	_ =	shalt  }
0x5f: {  	_ =	shalt  }
0x60: {  	_ =	shalt  }
0x61: {  	_ =	shalt  }
0x62: {  	_ =	shalt  }
0x63: {  	_ =	shalt  }
0x64: {  	_ =	shalt  }
0x65: {  	_ =	shalt  }
0x66: {  	_ =	shalt  }
0x67: {  	_ =	shalt  }
0x68: {  	_ =	shalt  }
0x69: {  	_ =	shalt  }
0x6a: {  	_ =	shalt  }
0x6b: {  	_ =	shalt  }
0x6c: {  	_ =	shalt  }
0x6d: {  	_ =	shalt  }
0x6e: {  	_ =	shalt  }
0x6f: {  	_ =	shalt  }
0x70: {  	_ =	shalt  }
0x71: {  	_ =	shalt  }
0x72: {  	_ =	shalt  }
0x73: {  	_ =	shalt  }
0x74: {  	_ =	shalt  }
0x75: {  	_ =	shalt  }
0x76: {  	_ =	shalt  }
0x77: {  	_ =	shalt  }
0x78: {  	_ =	shalt  }
0x79: {  	_ =	shalt  }
0x7a: {  	_ =	shalt  }
0x7b: {  	_ =	shalt  }
0x7c: {  	_ =	shalt  }
0x7d: {  	_ =	shalt  }
0x7e: {  	_ =	shalt  }
0x7f: {  	_ =	shalt  }
0x80: {  	_ =	shalt  }
0x81: {  	_ =	shalt  }
0x82: {  	_ =	shalt  }
0x83: {  	_ =	shalt  }
0x84: {  	_ =	shalt  }
0x85: {  	_ =	shalt  }
0x86: {  	_ =	shalt  }
0x87: {  	_ =	shalt  }
.Lfunc_end0:
.L_simem_size_0:
called_computation.4_lowered:
.L_overlay_start_0:
0x88: {  	s2 =	sld [smem:$0x3FD9]  }
0x89: {  	s3 =	sld [smem:$0x3FFE];
	_ =	sdelay $0x1  }
0x8a: {  	s1 =	srdreg.scid  }
0x8b: {  	s0 =	sand.u32 $0x1, s1  }
0x8c: {  	s16 =	sshll.u32 s0, $0xA;
	s2 =	sadd.s32 s3, s2  }
0x8d: {  	s2 =	sadd.s32 s2, s16  }
0x8e: {  	[smem:$0x3FAC] =	sst s2  }
0x8f: {  	_ = 	snop  }
0x90: {  	(tm) =	ssettm $0x1  }
0x91: {  	s17 =	sld [smem:$0x3FFB];
	_ =	sdelay $0x3  }
0x92: {  	_ =	strace s17  }
0x93: {  	s2 =	sld [smem:$0x3FFC];
	_ =	sdelay $0x3  }
0x94: {  	_ =	strace s2  }
0x95: {  	s2 =	sld [smem:$0x3FFD];
	_ =	sdelay $0x3  }
0x96: {  	_ =	strace s2  }
0x97: {  	_ =	strace $0x8FFFFFFF  }
0x98: {  	s18 =	sld [smem:$0x3FDB];
	_ =	sdelay $0x1  }
0x99: {  	s19 =	simm.s32 $_scs_section_size  }
0x9a: {  	s4 =	simm.s32 $_size__tile_overlayer_lowered;
	s5 =	simm.s32 $_tile_overlayer_lowered  }
0x9b: {  	s22 =	simm.s32 $0x1BFF;
	s21 =	sshll.u32 s5, $0x1;
	s2 =	sadd.s32 s19, s18  }
0x9c: {  	s6 =	simm.s32 $0x0;
	s20 =	sshll.u32 s4, $0x1;
	s4 =	sadd.s32 s21, s2  }
0x9d: {  	[timem:s6], [sflag:s22] =	dma.local [hbm:s4], s20  }
0x9e: {  	_ =	swait.ge [sflag:s22], s20  }
0x9f: {  	s3 =	ssub.s32 $0x0, s20;
	[sflag:s22] =	ssyncset.done $0x0  }
0xa0: {  	[sflag:s22] =	ssyncadd.s32 s3;
	_ =	sdelay $0x1  }
0xa1: {  	s23 =	simm.s32 $0x1B8B  }
0xa2: {  	_ =	swait.ge [sflag:s23], $0x1  }
0xa3: {  	[sflag:s23] =	ssyncset.done $0x0  }
0xa4: {  	s25 =	simm.s32 $0x1B8E;
	s24 =	sld [smem:$0x3FFE];
	[sflag:s23] =	ssyncadd.s32 $0xFFFFFFFF  }
0xa5: {  	s26 =	simm.s32 $execute0_lowered;
	[smem:$0x3FD2] =	sst s25  }
0xa6: {  	s4 =	sshll.u32 s26, $0x1;
	_ =	strace $0x8000004F;
	[dreg:$0x1] =	wrdreg $0xFFFFFFFF  }
0xa7: {  	s28 =	simm.s32 $_size_execute0_lowered;
	s2 =	sadd.s32 s2, s4;
	[dreg:$0x0] =	wrdreg $0x0  }
0xa8: {  	s4 =	sshll.u32 s28, $0x1;
	[dreg:$0x2] =	wrdreg s2  }
0xa9: {  	[dreg:$0x3] =	wrdreg s4  }
0xaa: {  	[dreg:$0x4] =	wrdreg $0xC0  }
0xab: {  	_ =	task [dreg:s6], $0x5FFFF  }
0xac: {  	[dreg:$0x1] =	wrdreg $0xFFFFFFFF  }
0xad: {  	[dreg:$0x0] =	wrdreg $0x60  }
0xae: {  	[dreg:$0x2] =	wrdreg s24  }
0xaf: {  	[dreg:$0x3] =	wrdreg $0xA  }
0xb0: {  	_ =	task.clear_ibuf [dreg:s6], $0x4FFFF;
	_ =	strace $0x9000004F  }
0xb1: {  	s29 =	simm.s32 $0xA;
	_ =	strace $0x80000051  }
0xb2: {  	_ =	swait.ge [sflag:s29], $0x1  }
0xb3: {  	[sflag:s29] =	ssyncadd.s32 $0xFFFFFFFF  }
0xb4: {  	_ =	strace $0x90000051  }
0xb5: {  	_ =	sfence  }
0xb6: {  	s30 =	sld [smem:$0x0];
	_ =	sdelay $0x2  }
0xb7: {  	s31 =	sshll.u32 s1, $0xD;
	s1 =	sshrl.u32 s1, $0x2  }
0xb8: {  	s3 =	sand.u32 $0x4000, s31;
	s1 =	sadd.s32 s1, s30  }
0xb9: {  	s0 =	sor.u32 s3, s0;
	s1 =	sshll.u32 s1, $0x11  }
0xba: {  	s0 =	sor.u32 s1, s0  }
0xbb: {  	s0 =	sadd.s32 $0x8F2B, s0  }
0xbc: {  	[sflag:s0] =	ssyncadd.remote.s32 $0x1  }
0xbd: {  	_ =	sfence.sel $0xFFFF  }
0xbe: {  	[dreg:$0x0] =	wrdreg $0xFFFFFFFF;
	(pc) =	sbr.abs _section_cstart, $3  }
0xbf: {  	[dreg:$0x1] =	wrdreg $0xFFFFFFFF  }
0xc0: {  	_ =	task.clear_ibuf [dreg:s6], $0x2FFFF;
	_ =	strace $0x9FFFFFFF  }
0xc1: {  	(tm) =	ssettm $0x7FFFFFFF  }
tec
execute0_lowered:
.L_overlay_start_1:
0x0: {  	(tag) =	ssettag $0x1  }
0x1: {  	s2 =	rddreg [dreg:$0x0]  }
0x2: {  	s0 =	rddreg [dreg:$0x1]  }
0x3: {  	s1 =	srdreg.scid;
	_ =	strace $0x80000050;
	s4 =	simm.s32 $0x1  }
0x4: {  	s9 =	simm.s32 $0x3;
	s11 =	simm.s32 $0x0;
	s5 =	sshll.u32 s1, $0x4  }
.Ltmp0:
0x5: {  	s1 =	stileid.u32;
	s5 =	sand.u32 $0x10, s5;
	(pc) =	sbr.rel .LBB2_1-.Ltmp0, $4  }
0x6: {  	p0 =	por $0x0, $0x0;
	s3 =	sadd.s32 $0x160A00, s2;
	s6 =	sor.u32 s1, s5  }
0x7: {  	[sflag:s4] =	ssyncpa.u1 $0x0;
	s5 =	simm.s32 $0x2;
	s6 =	sshll.u32 s6, $0x7  }
0x8: {  	s7 =	sadd.s32 $0x20A00, s2;
	[sflag:s5] =	ssyncpa.u1 $0x0;
	s8 =	sadd.s32 $0x80, s6  }
0x9: {  	vm0 =	vmmov $0xff;
	vm1 =	vcmask $0x3F20;
	[sflag:s9] =	ssyncpa.u1 $0x0;
	s10 =	smov.u32 s6;
	s9 =	simm.s32 $0x0  }
.LBB2_9:
0xa: {  	p1 =	slt.u32 s9, $0x2;
	s11 =	sadd.s32 $0x20, s10  }
0xb: {  	s13 =	smov.u32 s6;
	s9 =	sadd.s32 $0x1, s9;
	p2 =	slt.s32 s11, s8  }
0xc: {  	s13 =	smov.u32 @p2 s11;
	p2 =	sne.s32 s9, $0x6  }
.Ltmp1:
0xd: {  	_ = 	snop;
	(pc) =	sbr.rel @!p2 .LBB2_10-.Ltmp1, $4  }
0xe: {  	s12 =	simm.s32 @!p1 $0x3  }
0xf: {  	_ =	swait.ge @!p1 [sflag:s12], $0x8000  }
0x10: {  	p0 =	por !p0, !p0;
	[sflag:s12] =	ssyncset.done @!p1 $0x0  }
0x11: {  	s11 =	smov.u32 s10;
	s10 =	smov.u32 s13;
	[sflag:s12] =	ssyncadd.s32 @!p1 $0xFFFF8000  }
.LBB2_1:
0x12: {  	p1 =	sgt.u32 s9, $0x3  }
0x13: {  	s12 =	sxor.u32 @!p1 $0xFFFFFFFF, s9  }
0x14: {  	s13 =	sshrl.u32 @!p1 s10, $0x3;
	s12 =	sshll.u32 @!p1 s12, $0x5  }
0x15: {  	s14 =	sand.u32 @!p1 $0x7, s10;
	s13 =	sadd.s32 @!p1 s2, s13;
	s12 =	sand.u32 @!p1 $0x20, s12  }
0x16: {  	[tilespmem:s12], [sflag:$0x2] =	stream.linear.gather @!p1 [hbm4b:s13+s14], $0x20, $0x38;
	[tilespmem:$0x10040] =	vst v63  }
0x17: {  	p1 =	seq.s32 s9, $0x0  }
0x18: {  	p2 =	seq.s32 @!p1 s9, $0x5  }
0x19: {  	p1 =	por p1, p2  }
.Ltmp2:
0x1a: {  	_ = 	snop;
	(pc) =	sbr.rel @p1 .LBB2_9-.Ltmp2, $1  }
0x1b: {  	_ =	sdelay $0x3  }
0x1c: {  	s12 =	simm.s32 $0x1  }
0x1d: {  	_ =	swait.ge [sflag:s5], $0x20;
	s13 =	sand.u32 $0x1, s9;
	s12 =	simm.s32 @!p0 $0x0  }
0x1e: {  	s15 =	simm.s32 $0x0;
	p2 =	por $0x1, $0x1;
	s12 =	sshll.u32 s12, $0x11  }
0x1f: {  	[sflag:s5] =	ssyncset.done $0x0;
	s13 =	sshll.u32 s13, $0x5;
	s14 =	sshrl.u32 s12, $0x2  }
0x20: {  	[sflag:s5] =	ssyncadd.s32 $0xFFFFFFE0;
	s12 =	sor.u32 $0x40, s14;
	s14 =	sadd.s32 $0x40, s14  }
.LBB2_3:
0x21: {  	s16 =	sshll.u32 s15, $0x4  }
0x22: {  	s16 =	sand.u32 $0x3FFFFFF0, s16  }
0x23: {  	s16 =	sadd.s32 s16, s13  }
0x24: {  	v0 =	vld.msk [tilespmem:s16+$0x0 ss:$0x1], $0xffff;
	_ =	sdelay $0x4  }
0x25: {  	vm2 =	vgt.s32 v0, $0x0  }
0x26: {  	v0 =	vnsel vm2, $0x0, v0  }
0x27: {  	v0 =	vmin.u32 v0, $0x27FF  }
0x28: {  	v1 =	vshll.u32 v0, $0x7;
	v0 =	vshll.u32 v0, $0x4  }
0x29: {  	v1 =	vand.u32 $0x1FFC00, v1;
	v0 =	vand.u32 $0x70, v0  }
0x2a: {  	v0 =	vor.u32 v0, v1  }
0x2b: {  	s31 =	sshll.u32 s15, $0x10  }
0x2c: {  	s15 =	sshra.s32 s31, $0x2  }
0x2d: {  	s15 =	sadd.s32 s15, s14  }
0x2e: {  	s17 =	sadd.s32 $0x0, s15  }
0x2f: {  	[tilespmem:s17], [sflag:$0x1] =	stream.indirect_vreg.gather [hbm:s3], $0x80, v0, vm0, $0x38;
	[tilespmem:$0x10040] =	vst v63  }
0x30: {  	p1 =	por p2, p2;
	s16 =	simm.s32 $0x1000;
	v1 =	vadd.s32 $0x80, v0;
	s17 =	sadd.s32 $0x2000, s17  }
.LBB2_4:
0x31: {  	[tilespmem:s17], [sflag:$0x1] =	stream.indirect_vreg.gather [hbm:s3], $0x80, v0, vm1, $0x38;
	[tilespmem:$0x10040] =	vst v63  }
0x32: {  	v0 =	vmov v1;
	s17 =	smov.u32 s16;
	p2 =	sne.s32 s16, $0x7000  }
.Ltmp3:
0x33: {  	s16 =	sadd.s32 $0x1000, s16;
	(pc) =	sbr.rel @p2 .LBB2_4-.Ltmp3, $4  }
0x34: {  	s17 =	sshra.s32 s17, $0x2  }
0x35: {  	s17 =	sadd.s32 s17, s15  }
0x36: {  	[tilespmem:s17], [sflag:$0x1] =	stream.indirect_vreg.gather [hbm:s3], $0x80, v1, vm0, $0x38;
	[tilespmem:$0x10040] =	vst v63  }
0x37: {  	s17 =	sadd.s32 $0x2000, s17;
	v1 =	vadd.s32 $0x80, v1  }
0x38: {  	_ = 	snop  }
.Ltmp4:
0x39: {  	_ = 	snop;
	(pc) =	sbr.rel @p1 .LBB2_3-.Ltmp4, $3  }
0x3a: {  	_ =	sdelay $0x1  }
0x3b: {  	[tilespmem:s17], [sflag:$0x1] =	stream.indirect_vreg.gather [hbm:s3], $0x80, v0, vm1, $0x38;
	[tilespmem:$0x10040] =	vst v63  }
0x3c: {  	s15 =	simm.s32 $0x1;
	p2 =	por $0x0, $0x0  }
0x3d: {  	s13 =	sshll.u32 s11, $0x7  }
0x3e: {  	s31 =	sshll.u32 s11, $0x4;
	s13 =	sand.u32 $0xFFFFFC00, s13  }
0x3f: {  	_ =	swait.ge [sflag:s4], $0x8000;
	s11 =	sand.u32 $0x70, s31;
	s13 =	sadd.s32 s13, s7  }
0x40: {  	s14 =	sadd.s32 $0x2000, s12;
	[sflag:s4] =	ssyncset.done $0x0;
	s11 =	sadd.s32 s11, s13  }
0x41: {  	[sflag:s4] =	ssyncadd.s32 $0xFFFF8000;
	s13 =	simm.s32 $0x400;
	s15 =	sadd.s32 $0x0, s11  }
.LBB2_7:
0x42: {  	[hbm:s15] =	stream.linear.scatter [tilespmem:s12], [sflag:$0x3], $0x2000, $0x38;
	[tilespmem:$0x10040] =	vst v63  }
0x43: {  	s15 =	smov.u32 s13;
	s12 =	smov.u32 s14;
	p1 =	sne.s32 s13, $0xC00  }
.Ltmp5:
0x44: {  	s13 =	sadd.s32 $0x400, s13;
	(pc) =	sbr.rel @p1 .LBB2_7-.Ltmp5, $2  }
0x45: {  	_ =	sdelay $0x2  }
0x46: {  	s14 =	sadd.s32 $0x2000, s14;
	s15 =	sadd.s32 s15, s11  }
.Ltmp6:
0x47: {  	(pc) =	sbr.rel .LBB2_9-.Ltmp6, $2  }
0x48: {  	_ =	sdelay $0x2  }
0x49: {  	[hbm:s15] =	stream.linear.scatter [tilespmem:s12], [sflag:$0x3], $0x2000, $0x38;
	[tilespmem:$0x10040] =	vst v63  }
.LBB2_10:
0x4a: {  	_ =	sfence.sel $0x180000  }
0x4b: {  	s2 =	simm.s32 $0x2;
	[bflag:$0x0] =	sbarrier.arrive $0xFFFF  }
0x4c: {  	s30 =	simm.s32 $0x3;
	[sflag:s2] =	ssyncpa.u1 $0x1  }
0x4d: {  	s31 =	simm.s32 $0x1;
	[sflag:s30] =	ssyncpa.u1 $0x1  }
0x4e: {  	[sflag:s31] =	ssyncpa.u1 $0x1  }
0x4f: {  	p0 =	sne.s32 s1, $0x0;
	_ =	strace $0x90000050  }
0x50: {  	s0 =	sadd.s32 @!p0 $0x100000, s0;
	[bflag:$0x2] =	sbarrier.arrive $0xFFFF  }
0x51: {  	[sflag:s0] =	ssyncadd.tile.s32 @!p0 $0x1;
	_ =	shalt  }
.Lfunc_end2:
_tile_overlayer_lowered:
.L_overlay_start_2:
0x52: {  	(tag) =	ssettag $0x2  }
0x53: {  	s0 =	rddreg [dreg:$0x0];
	s2 =	stileid.u32  }
0x54: {  	s1 =	rddreg [dreg:$0x1];
	p0 =	sne.s32 s2, $0x0  }
0x55: {  	s3 =	rddreg [dreg:$0x2];
	[bflag:$0x3] =	sbarrier.arrive $0xFFFF;
	s2 =	simm.s32 @!p0 $0x1C01  }
0x56: {  	[timem:s3], [sflag:s2] =	dma.local @!p0 [hbm:s0], s1  }
0x57: {  	s0 =	simm.s32 @!p0 $0x1  }
0x58: {  	_ =	swait.ge @!p0 [sflag:s0], s1  }
0x59: {  	s1 =	ssub.s32 @!p0 $0x0, s1;
	[sflag:s0] =	ssyncset.done @!p0 $0x0  }
0x5a: {  	[sflag:s0] =	ssyncadd.s32 @!p0 s1  }
0x5b: {  	[bflag:$0x3] =	sbarrier.arrive $0xFFFF  }
0x5c: {  	_ =	shalt  }

// kernel: gather_offload_async_start
scs
__scs_entry_jumppad:
0x0: {  	(pc) =	sbr.rel $0x88, $3  }
0x1: {  	(tag) =	ssettag $0x0;
	lr =	simm.s32 $0x1  }
0x2: {  	[smem:$0x3F85] =	sst lr;
	_ =	strace $0xD0000000  }
0x3: {  	_ = 	snop  }
0x4: {  	_ = 	snop  }
0x5: {  	_ = 	snop  }
0x6: {  	_ = 	snop  }
0x7: {  	_ = 	snop  }
__scs_overlays_trampoline_lowered:
0x8: {  	[smem:$0x3F94] =	sst s0  }
0x9: {  	[smem:$0x3F95] =	sst s1  }
0xa: {  	[smem:$0x3F96] =	sst s2  }
0xb: {  	[smem:$0x3F97] =	sst s3  }
0xc: {  	[smem:$0x3F98] =	sst s4  }
0xd: {  	[smem:$0x3F99] =	sst s5  }
0xe: {  	[smem:$0x3F9A] =	sst s6  }
0xf: {  	[smem:$0x3F9B] =	sst s7  }
0x10: {  	[smem:$0x3F9C] =	sst s8  }
0x11: {  	[smem:$0x3F9D] =	sst s9;
	s0 =	simm.s32 @!p0 $0x0  }
0x12: {  	s1 =	sld [smem:$0x3F83];
	s0 =	simm.s32 @p0 $0x1  }
0x13: {  	[smem:$0x3F9E] =	sst s0;
	s0 =	simm.s32 @!p1 $0x0  }
0x14: {  	s2 =	sld [smem:$0x3F82];
	s0 =	simm.s32 @p1 $0x1  }
0x15: {  	[smem:$0x3F9F] =	sst s0;
	s0 =	simm.s32 @!p2 $0x0  }
0x16: {  	s3 =	sld [smem:$0x3FDB];
	s0 =	simm.s32 @p2 $0x1  }
0x17: {  	s4 =	simm.s32 $0x1BF5;
	[smem:$0x3FA1] =	sst s0  }
0x18: {  	s0 =	sld [smem:$0x3F84];
	_ =	swait.ge [sflag:s4], $0x0  }
0x19: {  	s7 =	sld [smem:$0x3F85]  }
0x1a: {  	s8 =	sadd.s32 $0xFFFFE003, lr  }
0x1b: {  	s9 =	sadd.s32 $0xFFFFFEF7, lr;
	s5 =	simm.s32 $0xFFFFFFFF;
	p2 =	slt.u32 s8, $0xFFFFF086  }
0x1c: {  	p1 =	slt.u32 s9, $0xF7A;
	s5 =	simm.s32 @!p2 $0x0  }
0x1d: {  	s5 =	simm.s32 @p1 $0x1;
	p0 =	seq.s32 s7, s2  }
0x1e: {  	s7 =	smul.u32 @!p0 $0xF7A, s2;
	p2 =	seq.s32 @!p0 s5, $0x0  }
0x1f: {  	s9 =	smul.u32 $0xF7A, s1;
	s8 =	simm.s32 @!p0 $0x1BF5;
	p2 =	por !p2, p0  }
0x20: {  	[sflag:s8] =	ssyncset.s32 @!p0 $0xFFFFF086;
	s6 =	sadd.s32 @!p0 s3, s7;
	s7 =	simm.s32 @!p0 $0x108  }
0x21: {  	s3 =	sadd.s32 s3, s9;
	s6 =	sadd.s32 @!p0 $0x88, s6;
	s7 =	simm.s32 @p2 $0x1082  }
0x22: {  	[simem:s7], [sflag:s8] =	dma.local @!p0 [hbm:s6], $0xF7A  }
0x23: {  	s9 =	sor.u32 $0xD0000000, s2;
	s6 =	simm.s32 $0x108;
	_ =	swait.ge @!p0 [sflag:s8], $0x0  }
0x24: {  	s3 =	sadd.s32 $0x88, s3;
	s6 =	simm.s32 @!p1 $0x1082;
	[sflag:s4] =	ssyncset.s32 $0xFFFFF086  }
0x25: {  	[simem:s6], [sflag:s4] =	dma.local [hbm:s3], $0xF7A  }
0x26: {  	[smem:$0x3F85] =	sst s1;
	(tag) =	ssettag s2;
	_ =	strace s9  }
0x27: {  	s1 =	sld [smem:$0x3F95]  }
0x28: {  	s2 =	sld [smem:$0x3F96]  }
0x29: {  	s4 =	sld [smem:$0x3F98]  }
0x2a: {  	p0 =	seq.s32 s5, $0x0;
	s5 =	sld [smem:$0x3F99]  }
0x2b: {  	s6 =	sld [smem:$0x3F9A]  }
0x2c: {  	s7 =	sld [smem:$0x3F9B]  }
0x2d: {  	s3 =	simm.s32 $0x108;
	s8 =	sld [smem:$0x3F9C]  }
0x2e: {  	s3 =	simm.s32 @!p0 $0x1082;
	s9 =	sld [smem:$0x3F9D]  }
0x2f: {  	lr =	sadd.s32 s0, s3;
	s0 =	sld [smem:$0x3F94]  }
0x30: {  	s3 =	sld [smem:$0x3F97]  }
0x31: {  	[smem:$0x3FA0] =	sst s10  }
0x32: {  	s10 =	sld [smem:$0x3F9E];
	_ =	sdelay $0x3  }
0x33: {  	p0 =	seq.s32 s10, $0x1;
	s10 =	sld [smem:$0x3FA0];
	_ =	sdelay $0x3  }
0x34: {  	[smem:$0x3FA0] =	sst s10  }
0x35: {  	s10 =	sld [smem:$0x3F9F];
	_ =	sdelay $0x3  }
0x36: {  	p1 =	seq.s32 s10, $0x1;
	s10 =	sld [smem:$0x3FA0];
	_ =	sdelay $0x3  }
0x37: {  	[smem:$0x3FA0] =	sst s10  }
0x38: {  	s10 =	sld [smem:$0x3FA1]  }
0x39: {  	_ = 	snop;
	(pc) =	sbr.ind lr, $3  }
0x3a: {  	_ = 	snop  }
0x3b: {  	_ = 	snop  }
0x3c: {  	p2 =	seq.s32 s10, $0x1;
	s10 =	sld [smem:$0x3FA0]  }
0x3d: {  	_ =	shalt  }
0x3e: {  	_ =	shalt  }
0x3f: {  	_ =	shalt  }
0x40: {  	_ =	shalt  }
0x41: {  	_ =	shalt  }
0x42: {  	_ =	shalt  }
0x43: {  	_ =	shalt  }
0x44: {  	_ =	shalt  }
0x45: {  	_ =	shalt  }
0x46: {  	_ =	shalt  }
0x47: {  	_ =	shalt  }
0x48: {  	_ =	shalt  }
0x49: {  	_ =	shalt  }
0x4a: {  	_ =	shalt  }
0x4b: {  	_ =	shalt  }
0x4c: {  	_ =	shalt  }
0x4d: {  	_ =	shalt  }
0x4e: {  	_ =	shalt  }
0x4f: {  	_ =	shalt  }
0x50: {  	_ =	shalt  }
0x51: {  	_ =	shalt  }
0x52: {  	_ =	shalt  }
0x53: {  	_ =	shalt  }
0x54: {  	_ =	shalt  }
0x55: {  	_ =	shalt  }
0x56: {  	_ =	shalt  }
0x57: {  	_ =	shalt  }
0x58: {  	_ =	shalt  }
0x59: {  	_ =	shalt  }
0x5a: {  	_ =	shalt  }
0x5b: {  	_ =	shalt  }
0x5c: {  	_ =	shalt  }
0x5d: {  	_ =	shalt  }
0x5e: {  	_ =	shalt  }
0x5f: {  	_ =	shalt  }
0x60: {  	_ =	shalt  }
0x61: {  	_ =	shalt  }
0x62: {  	_ =	shalt  }
0x63: {  	_ =	shalt  }
0x64: {  	_ =	shalt  }
0x65: {  	_ =	shalt  }
0x66: {  	_ =	shalt  }
0x67: {  	_ =	shalt  }
0x68: {  	_ =	shalt  }
0x69: {  	_ =	shalt  }
0x6a: {  	_ =	shalt  }
0x6b: {  	_ =	shalt  }
0x6c: {  	_ =	shalt  }
0x6d: {  	_ =	shalt  }
0x6e: {  	_ =	shalt  }
0x6f: {  	_ =	shalt  }
0x70: {  	_ =	shalt  }
0x71: {  	_ =	shalt  }
0x72: {  	_ =	shalt  }
0x73: {  	_ =	shalt  }
0x74: {  	_ =	shalt  }
0x75: {  	_ =	shalt  }
0x76: {  	_ =	shalt  }
0x77: {  	_ =	shalt  }
0x78: {  	_ =	shalt  }
0x79: {  	_ =	shalt  }
0x7a: {  	_ =	shalt  }
0x7b: {  	_ =	shalt  }
0x7c: {  	_ =	shalt  }
0x7d: {  	_ =	shalt  }
0x7e: {  	_ =	shalt  }
0x7f: {  	_ =	shalt  }
0x80: {  	_ =	shalt  }
0x81: {  	_ =	shalt  }
0x82: {  	_ =	shalt  }
0x83: {  	_ =	shalt  }
0x84: {  	_ =	shalt  }
0x85: {  	_ =	shalt  }
0x86: {  	_ =	shalt  }
0x87: {  	_ =	shalt  }
.Lfunc_end0:
.L_simem_size_0:
called_computation.1_lowered:
.L_overlay_start_0:
0x88: {  	s2 =	sld [smem:$0x3FD9]  }
0x89: {  	s3 =	sld [smem:$0x3FFE];
	_ =	sdelay $0x1  }
0x8a: {  	s1 =	srdreg.scid  }
0x8b: {  	s0 =	sand.u32 $0x1, s1  }
0x8c: {  	s14 =	sshll.u32 s0, $0xA;
	s2 =	sadd.s32 s3, s2  }
0x8d: {  	s2 =	sadd.s32 s2, s14  }
0x8e: {  	[smem:$0x3FAC] =	sst s2  }
0x8f: {  	_ = 	snop  }
0x90: {  	s2 =	sld [smem:$0x3FD0];
	_ =	sdelay $0x2  }
0x91: {  	s15 =	simm.s32 $0xB;
	s4 =	simm.s32 $0x10  }
0x92: {  	[smem:s4], [sflag:s15] =	dma.local [hbm:s2], $0x1  }
0x93: {  	_ =	swait.eq [sflag:s15], $0x1  }
0x94: {  	[sflag:s15] =	ssyncset.done $0x0  }
0x95: {  	[sflag:s15] =	ssyncadd.s32 $0xFFFFFFFF  }
0x96: {  	s16 =	sld [smem:$0x12];
	(tm) =	ssettm $0x1  }
0x97: {  	s17 =	sld [smem:$0x3FFB];
	_ =	sdelay $0x3  }
0x98: {  	_ =	strace s17  }
0x99: {  	s3 =	sld [smem:$0x3FFC];
	_ =	sdelay $0x3  }
0x9a: {  	_ =	strace s3  }
0x9b: {  	s3 =	sld [smem:$0x3FFD];
	_ =	sdelay $0x3  }
0x9c: {  	_ =	strace s3  }
0x9d: {  	_ =	strace $0x8FFFFFFF  }
0x9e: {  	s18 =	sld [smem:$0x3FDB];
	_ =	sdelay $0x1  }
0x9f: {  	s19 =	simm.s32 $_scs_section_size  }
0xa0: {  	s5 =	simm.s32 $_size__tile_overlayer_lowered;
	s6 =	simm.s32 $_tile_overlayer_lowered  }
0xa1: {  	s22 =	simm.s32 $0x1BFF;
	s21 =	sshll.u32 s6, $0x1;
	s3 =	sadd.s32 s19, s18  }
0xa2: {  	s7 =	simm.s32 $0x0;
	s20 =	sshll.u32 s5, $0x1;
	s5 =	sadd.s32 s21, s3  }
0xa3: {  	[timem:s7], [sflag:s22] =	dma.local [hbm:s5], s20  }
0xa4: {  	_ =	swait.ge [sflag:s22], s20  }
0xa5: {  	s4 =	ssub.s32 $0x0, s20;
	[sflag:s22] =	ssyncset.done $0x0  }
0xa6: {  	[sflag:s22] =	ssyncadd.s32 s4;
	_ =	sdelay $0x1  }
0xa7: {  	s23 =	simm.s32 $0x1B8B  }
0xa8: {  	_ =	swait.ge [sflag:s23], $0x1  }
0xa9: {  	[sflag:s23] =	ssyncset.done $0x0  }
0xaa: {  	s25 =	simm.s32 $0x1B8E;
	s24 =	sld [smem:$0x3FFE];
	[sflag:s23] =	ssyncadd.s32 $0xFFFFFFFF  }
0xab: {  	s26 =	simm.s32 $execute0_lowered;
	[smem:$0x3FD2] =	sst s25  }
0xac: {  	s5 =	sshll.u32 s26, $0x1;
	_ =	strace $0x80000049;
	[dreg:$0x1] =	wrdreg $0xFFFFFFFF  }
0xad: {  	s28 =	simm.s32 $_size_execute0_lowered;
	s3 =	sadd.s32 s3, s5;
	[dreg:$0x0] =	wrdreg $0x0  }
0xae: {  	s5 =	sshll.u32 s28, $0x1;
	[dreg:$0x2] =	wrdreg s3  }
0xaf: {  	[dreg:$0x3] =	wrdreg s5  }
0xb0: {  	[dreg:$0x4] =	wrdreg $0xC0  }
0xb1: {  	_ =	task [dreg:s7], $0x5FFFF  }
0xb2: {  	[dreg:$0x1] =	wrdreg $0xFFFFFFFF  }
0xb3: {  	[dreg:$0x0] =	wrdreg $0x60  }
0xb4: {  	[dreg:$0x2] =	wrdreg s24  }
0xb5: {  	[dreg:$0x3] =	wrdreg s16  }
0xb6: {  	[dreg:$0x4] =	wrdreg $0x9  }
0xb7: {  	_ =	task.clear_ibuf [dreg:s7], $0x5FFFF;
	_ =	strace $0x90000049  }
0xb8: {  	s29 =	simm.s32 $0x9;
	_ =	strace $0x8000004B  }
0xb9: {  	_ =	swait.ge [sflag:s29], $0x1  }
0xba: {  	[sflag:s29] =	ssyncadd.s32 $0xFFFFFFFF  }
0xbb: {  	_ =	strace $0x9000004B  }
0xbc: {  	_ =	sfence  }
0xbd: {  	s30 =	sld [smem:$0x0];
	_ =	sdelay $0x2  }
0xbe: {  	s31 =	sshll.u32 s1, $0xD;
	s1 =	sshrl.u32 s1, $0x2  }
0xbf: {  	s3 =	sand.u32 $0x4000, s31;
	s1 =	sadd.s32 s1, s30  }
0xc0: {  	s0 =	sor.u32 s3, s0;
	s1 =	sshll.u32 s1, $0x11  }
0xc1: {  	s0 =	sor.u32 s1, s0  }
0xc2: {  	s0 =	sadd.s32 $0x8F2B, s0  }
0xc3: {  	[sflag:s0] =	ssyncadd.remote.s32 $0x1  }
0xc4: {  	_ =	sfence.sel $0xFFFF  }
0xc5: {  	[dreg:$0x0] =	wrdreg $0xFFFFFFFF;
	(pc) =	sbr.abs _section_cstart, $3  }
0xc6: {  	[dreg:$0x1] =	wrdreg $0xFFFFFFFF  }
0xc7: {  	_ =	task.clear_ibuf [dreg:s7], $0x2FFFF;
	_ =	strace $0x9FFFFFFF  }
0xc8: {  	(tm) =	ssettm $0x7FFFFFFF  }
0xc9: {  	_ =	shalt  }
tec
execute0_lowered:
.L_overlay_start_1:
0x0: {  	(tag) =	ssettag $0x1  }
0x1: {  	s1 =	srdreg.scid;
	s5 =	rddreg [dreg:$0x0]  }
0x2: {  	s0 =	stileid.u32;
	s2 =	rddreg [dreg:$0x1];
	s6 =	simm.s32 $0x1  }
0x3: {  	s9 =	simm.s32 $0x1;
	s10 =	simm.s32 $0x3;
	s1 =	sshll.u32 s1, $0x7  }
0x4: {  	s13 =	simm.s32 $0x0;
	s3 =	sshll.u32 s0, $0x8;
	s4 =	sand.u32 $0x80, s1  }
0x5: {  	s12 =	simm.s32 $0x0;
	s1 =	rddreg [dreg:$0x2];
	s3 =	sor.u32 s3, s4  }
0x6: {  	_ =	strace $0x8000004A;
	s4 =	sadd.s32 $0x20E00, s5;
	s8 =	ssub.s32 $0x2000, s3  }
.Ltmp0:
0x7: {  	s5 =	sadd.s32 $0x21400, s5;
	s7 =	sand.u32 $0xF80, s8;
	(pc) =	sbr.rel .LBB2_1-.Ltmp0, $4  }
0x8: {  	[sflag:s6] =	ssyncpa.u1 $0x0;
	s11 =	smov.u32 s3;
	p0 =	sne.s32 s7, $0x0  }
0x9: {  	s8 =	sshrl.u32 s8, $0xC;
	s7 =	simm.s32 $0x2;
	s9 =	simm.s32 @!p0 $0x0  }
0xa: {  	[sflag:s7] =	ssyncpa.u1 $0x0;
	p0 =	por $0x0, $0x0;
	s8 =	sadd.s32 s9, s8  }
0xb: {  	vm0 =	vmmov $0xffff;
	[sflag:s10] =	ssyncpa.u1 $0x0;
	s10 =	simm.s32 $0x0;
	s9 =	sadd.s32 $0x1, s8  }
.LBB2_4:
0xc: {  	v2 =	vnsel vm1, $0x0, v2  }
0xd: {  	vm1 =	vgt.s32 v0, $0x0;
	v2 =	vmin.u32 v2, $0x1FFF  }
0xe: {  	v0 =	vnsel vm1, $0x0, v0  }
0xf: {  	v0 =	vmin.u32 v0, $0x1FFF  }
0x10: {  	[tilespmem:s15], [sflag:$0x1] =	stream.indirect_vreg.gather [hbm4b:s4+s10], $0x1, v1, vm0, $0x4038;
	[tilespmem:$0x200] =	vst v63  }
0x11: {  	(ifvalue) =	ssetifvalue $0x7FFFFFFF  }
0x12: {  	[tilespmem:s16], [sflag:$0x1] =	stream.indirect_vreg.gather [hbm4b:s4+s10], $0x1, v2, vm0, $0x4038;
	[tilespmem:$0x200] =	vst v63  }
0x13: {  	s29 =	sadd.s32 $0x10, s16;
	(ifvalue) =	ssetifvalue $0x7FFFFFFF  }
0x14: {  	[tilespmem:s29], [sflag:$0x1] =	stream.indirect_vreg.gather [hbm4b:s4+s10], $0x1, v0, vm0, $0x4038;
	[tilespmem:$0x200] =	vst v63  }
0x15: {  	_ =	swait.ge [sflag:s6], $0x80  }
0x16: {  	s30 =	sshrl.u32 s13, $0x3;
	[sflag:s6] =	ssyncset.done $0x0  }
0x17: {  	s31 =	sand.u32 $0x7, s13;
	s15 =	sadd.s32 s2, s30;
	[sflag:s6] =	ssyncadd.s32 $0xFFFFFF80  }
0x18: {  	[hbm4b:s15+s31] =	stream.linear.scatter [tilespmem:s14], [sflag:$0x3], $0x80, $0x38;
	[tilespmem:$0x200] =	vst v63  }
.LBB2_5:
0x19: {  	s15 =	sadd.s32 $0x1000, s11  }
0x1a: {  	p2 =	sgt.s32 s15, $0x1FFF  }
0x1b: {  	s15 =	smov.u32 @p2 s3;
	p2 =	sne.s32 s12, s9  }
.Ltmp1:
0x1c: {  	p1 =	slt.u32 s12, $0x2;
	(pc) =	sbr.rel @!p2 .LBB2_6-.Ltmp1, $4  }
0x1d: {  	s14 =	simm.s32 @!p1 $0x3  }
0x1e: {  	s16 =	sadd.s32 $0x1, s12;
	_ =	swait.ge @!p1 [sflag:s14], $0x80  }
0x1f: {  	s13 =	smov.u32 s11;
	p0 =	por !p0, !p0;
	[sflag:s14] =	ssyncset.done @!p1 $0x0  }
0x20: {  	s12 =	smov.u32 s16;
	s11 =	smov.u32 s15;
	[sflag:s14] =	ssyncadd.s32 @!p1 $0xFFFFFF80  }
.LBB2_1:
0x21: {  	p1 =	sge.u32 s12, s8  }
0x22: {  	s14 =	sxor.u32 @!p1 $0xFFFFFFFF, s12  }
0x23: {  	s31 =	sadd.s32 $0xFFFFFFFF, s12;
	s15 =	sshrl.u32 @!p1 s11, $0x3;
	s14 =	sshll.u32 @!p1 s14, $0x7  }
0x24: {  	s16 =	sand.u32 @!p1 $0x7, s11;
	s15 =	sadd.s32 @!p1 s5, s15;
	s14 =	sand.u32 @!p1 $0x80, s14  }
0x25: {  	[tilespmem:s14], [sflag:$0x2] =	stream.linear.gather @!p1 [hbm4b:s15+s16], $0x80, $0x38;
	[tilespmem:$0x200] =	vst v63  }
0x26: {  	p1 =	sge.u32 s31, s8  }
.Ltmp2:
0x27: {  	_ = 	snop;
	(pc) =	sbr.rel @p1 .LBB2_5-.Ltmp2, $1  }
0x28: {  	_ =	sdelay $0x3  }
0x29: {  	s14 =	simm.s32 $0x1  }
0x2a: {  	_ =	swait.ge [sflag:s7], $0x80;
	s14 =	simm.s32 @!p0 $0x0  }
0x2b: {  	[sflag:s7] =	ssyncset.done $0x0;
	s14 =	sshll.u32 s14, $0x7  }
0x2c: {  	[sflag:s7] =	ssyncadd.s32 $0xFFFFFF80;
	(ifvalue) =	ssetifvalue $0x7FFFFFFF;
	v0 =	vld.msk [tilespmem:s14+$0x0 ss:$0x1], $0xffff;
	_ =	sdelay $0x4  }
0x2d: {  	s15 =	sadd.s32 $0x10, s14;
	vm1 =	vgt.s32 v0, $0x0  }
0x2e: {  	v2 =	vld.msk [tilespmem:s15+$0x0 ss:$0x1], $0xffff;
	v1 =	vnsel vm1, $0x0, v0  }
0x2f: {  	v1 =	vmin.u32 v1, $0x1FFF;
	_ =	sdelay $0x1  }
0x30: {  	s16 =	sshll.u32 s12, $0x7;
	s18 =	simm.s32 $0x20  }
0x31: {  	s16 =	sand.u32 $0x80, s16;
	s17 =	sadd.s32 $0x10, s15;
	s15 =	sor.u32 $0x100, s14  }
0x32: {  	s14 =	sor.u32 $0x100, s16;
	s16 =	sadd.s32 $0x10, s15;
	v0 =	vld.msk [tilespmem:s17+$0x0 ss:$0x1], $0xffff;
	vm1 =	vgt.s32 v2, $0x0;
	(ifvalue) =	ssetifvalue $0x7FFFFFFF  }
.LBB2_3:
0x33: {  	[tilespmem:s15], [sflag:$0x1] =	stream.indirect_vreg.gather [hbm4b:s4+s10], $0x1, v1, vm0, $0x4038;
	[tilespmem:$0x200] =	vst v63  }
0x34: {  	s18 =	sadd.s32 $0x10, s18  }
0x35: {  	v2 =	vnsel vm1, $0x0, v2;
	p1 =	slt.u32 s18, $0x70  }
.Ltmp3:
0x36: {  	s15 =	smov.u32 s16;
	v1 =	vmin.u32 v2, $0x1FFF;
	(pc) =	sbr.rel @p1 .LBB2_3-.Ltmp3, $3  }
0x37: {  	_ =	sdelay $0x1  }
0x38: {  	s17 =	sadd.s32 $0x10, s17  }
0x39: {  	vm1 =	vgt.s32 v0, $0x0;
	s16 =	sadd.s32 $0x10, s16;
	v2 =	vmov v0;
	(ifvalue) =	ssetifvalue $0x7FFFFFFF;
	v0 =	vld.msk [tilespmem:s17+$0x0 ss:$0x1], $0xffff  }
.Ltmp4:
0x3a: {  	_ = 	snop;
	(pc) =	sbr.rel .LBB2_4-.Ltmp4, $1  }
0x3b: {  	_ =	sdelay $0x3  }
.LBB2_6:
0x3c: {  	_ =	sfence.sel $0x180000  }
0x3d: {  	s2 =	simm.s32 $0x2;
	[bflag:$0x0] =	sbarrier.arrive $0xFFFF  }
0x3e: {  	s30 =	simm.s32 $0x3;
	[sflag:s2] =	ssyncpa.u1 $0x1  }
0x3f: {  	s31 =	simm.s32 $0x1;
	[sflag:s30] =	ssyncpa.u1 $0x1  }
0x40: {  	[sflag:s31] =	ssyncpa.u1 $0x1  }
0x41: {  	p0 =	sne.s32 s0, $0x0;
	_ =	strace $0x9000004A  }
0x42: {  	s0 =	sadd.s32 @!p0 $0x100000, s1;
	[bflag:$0x2] =	sbarrier.arrive $0xFFFF  }
0x43: {  	[sflag:s0] =	ssyncadd.tile.s32 @!p0 $0x1;
	_ =	shalt  }
.Lfunc_end2:
_tile_overlayer_lowered:
.L_overlay_start_2:
0x44: {  	(tag) =	ssettag $0x2  }
0x45: {  	s0 =	rddreg [dreg:$0x0];
	s2 =	stileid.u32  }
0x46: {  	s1 =	rddreg [dreg:$0x1];
	p0 =	sne.s32 s2, $0x0  }
0x47: {  	s3 =	rddreg [dreg:$0x2];
	[bflag:$0x3] =	sbarrier.arrive $0xFFFF;
	s2 =	simm.s32 @!p0 $0x1C01  }
0x48: {  	[timem:s3], [sflag:s2] =	dma.local @!p0 [hbm:s0], s1  }
0x49: {  	s0 =	simm.s32 @!p0 $0x1  }
0x4a: {  	_ =	swait.ge @!p0 [sflag:s0], s1  }
0x4b: {  	s1 =	ssub.s32 @!p0 $0x0, s1;
	[sflag:s0] =	ssyncset.done @!p0 $0x0  }
0x4c: {  	[sflag:s0] =	ssyncadd.s32 @!p0 s1  }
0x4d: {  	[bflag:$0x3] =	sbarrier.arrive $0xFFFF  }
0x4e: {  	_ =	shalt  }

// kernel: scatter_offload_async_start
scs
__scs_entry_jumppad:
0x0: {  	(pc) =	sbr.rel $0x88, $3  }
0x1: {  	(tag) =	ssettag $0x0;
	lr =	simm.s32 $0x1  }
0x2: {  	[smem:$0x3F85] =	sst lr;
	_ =	strace $0xD0000000  }
0x3: {  	_ = 	snop  }
0x4: {  	_ = 	snop  }
0x5: {  	_ = 	snop  }
0x6: {  	_ = 	snop  }
0x7: {  	_ = 	snop  }
__scs_overlays_trampoline_lowered:
0x8: {  	[smem:$0x3F94] =	sst s0  }
0x9: {  	[smem:$0x3F95] =	sst s1  }
0xa: {  	[smem:$0x3F96] =	sst s2  }
0xb: {  	[smem:$0x3F97] =	sst s3  }
0xc: {  	[smem:$0x3F98] =	sst s4  }
0xd: {  	[smem:$0x3F99] =	sst s5  }
0xe: {  	[smem:$0x3F9A] =	sst s6  }
0xf: {  	[smem:$0x3F9B] =	sst s7  }
0x10: {  	[smem:$0x3F9C] =	sst s8  }
0x11: {  	[smem:$0x3F9D] =	sst s9;
	s0 =	simm.s32 @!p0 $0x0  }
0x12: {  	s1 =	sld [smem:$0x3F83];
	s0 =	simm.s32 @p0 $0x1  }
0x13: {  	[smem:$0x3F9E] =	sst s0;
	s0 =	simm.s32 @!p1 $0x0  }
0x14: {  	s2 =	sld [smem:$0x3F82];
	s0 =	simm.s32 @p1 $0x1  }
0x15: {  	[smem:$0x3F9F] =	sst s0;
	s0 =	simm.s32 @!p2 $0x0  }
0x16: {  	s3 =	sld [smem:$0x3FDB];
	s0 =	simm.s32 @p2 $0x1  }
0x17: {  	s4 =	simm.s32 $0x1BF5;
	[smem:$0x3FA1] =	sst s0  }
0x18: {  	s0 =	sld [smem:$0x3F84];
	_ =	swait.ge [sflag:s4], $0x0  }
0x19: {  	s7 =	sld [smem:$0x3F85]  }
0x1a: {  	s8 =	sadd.s32 $0xFFFFE003, lr  }
0x1b: {  	s9 =	sadd.s32 $0xFFFFFEF7, lr;
	s5 =	simm.s32 $0xFFFFFFFF;
	p2 =	slt.u32 s8, $0xFFFFF086  }
0x1c: {  	p1 =	slt.u32 s9, $0xF7A;
	s5 =	simm.s32 @!p2 $0x0  }
0x1d: {  	s5 =	simm.s32 @p1 $0x1;
	p0 =	seq.s32 s7, s2  }
0x1e: {  	s7 =	smul.u32 @!p0 $0xF7A, s2;
	p2 =	seq.s32 @!p0 s5, $0x0  }
0x1f: {  	s9 =	smul.u32 $0xF7A, s1;
	s8 =	simm.s32 @!p0 $0x1BF5;
	p2 =	por !p2, p0  }
0x20: {  	[sflag:s8] =	ssyncset.s32 @!p0 $0xFFFFF086;
	s6 =	sadd.s32 @!p0 s3, s7;
	s7 =	simm.s32 @!p0 $0x108  }
0x21: {  	s3 =	sadd.s32 s3, s9;
	s6 =	sadd.s32 @!p0 $0x88, s6;
	s7 =	simm.s32 @p2 $0x1082  }
0x22: {  	[simem:s7], [sflag:s8] =	dma.local @!p0 [hbm:s6], $0xF7A  }
0x23: {  	s9 =	sor.u32 $0xD0000000, s2;
	s6 =	simm.s32 $0x108;
	_ =	swait.ge @!p0 [sflag:s8], $0x0  }
0x24: {  	s3 =	sadd.s32 $0x88, s3;
	s6 =	simm.s32 @!p1 $0x1082;
	[sflag:s4] =	ssyncset.s32 $0xFFFFF086  }
0x25: {  	[simem:s6], [sflag:s4] =	dma.local [hbm:s3], $0xF7A  }
0x26: {  	[smem:$0x3F85] =	sst s1;
	(tag) =	ssettag s2;
	_ =	strace s9  }
0x27: {  	s1 =	sld [smem:$0x3F95]  }
0x28: {  	s2 =	sld [smem:$0x3F96]  }
0x29: {  	s4 =	sld [smem:$0x3F98]  }
0x2a: {  	p0 =	seq.s32 s5, $0x0;
	s5 =	sld [smem:$0x3F99]  }
0x2b: {  	s6 =	sld [smem:$0x3F9A]  }
0x2c: {  	s7 =	sld [smem:$0x3F9B]  }
0x2d: {  	s3 =	simm.s32 $0x108;
	s8 =	sld [smem:$0x3F9C]  }
0x2e: {  	s3 =	simm.s32 @!p0 $0x1082;
	s9 =	sld [smem:$0x3F9D]  }
0x2f: {  	lr =	sadd.s32 s0, s3;
	s0 =	sld [smem:$0x3F94]  }
0x30: {  	s3 =	sld [smem:$0x3F97]  }
0x31: {  	[smem:$0x3FA0] =	sst s10  }
0x32: {  	s10 =	sld [smem:$0x3F9E];
	_ =	sdelay $0x3  }
0x33: {  	p0 =	seq.s32 s10, $0x1;
	s10 =	sld [smem:$0x3FA0];
	_ =	sdelay $0x3  }
0x34: {  	[smem:$0x3FA0] =	sst s10  }
0x35: {  	s10 =	sld [smem:$0x3F9F];
	_ =	sdelay $0x3  }
0x36: {  	p1 =	seq.s32 s10, $0x1;
	s10 =	sld [smem:$0x3FA0];
	_ =	sdelay $0x3  }
0x37: {  	[smem:$0x3FA0] =	sst s10  }
0x38: {  	s10 =	sld [smem:$0x3FA1]  }
0x39: {  	_ = 	snop;
	(pc) =	sbr.ind lr, $3  }
0x3a: {  	_ = 	snop  }
0x3b: {  	_ = 	snop  }
0x3c: {  	p2 =	seq.s32 s10, $0x1;
	s10 =	sld [smem:$0x3FA0]  }
0x3d: {  	_ =	shalt  }
0x3e: {  	_ =	shalt  }
0x3f: {  	_ =	shalt  }
0x40: {  	_ =	shalt  }
0x41: {  	_ =	shalt  }
0x42: {  	_ =	shalt  }
0x43: {  	_ =	shalt  }
0x44: {  	_ =	shalt  }
0x45: {  	_ =	shalt  }
0x46: {  	_ =	shalt  }
0x47: {  	_ =	shalt  }
0x48: {  	_ =	shalt  }
0x49: {  	_ =	shalt  }
0x4a: {  	_ =	shalt  }
0x4b: {  	_ =	shalt  }
0x4c: {  	_ =	shalt  }
0x4d: {  	_ =	shalt  }
0x4e: {  	_ =	shalt  }
0x4f: {  	_ =	shalt  }
0x50: {  	_ =	shalt  }
0x51: {  	_ =	shalt  }
0x52: {  	_ =	shalt  }
0x53: {  	_ =	shalt  }
0x54: {  	_ =	shalt  }
0x55: {  	_ =	shalt  }
0x56: {  	_ =	shalt  }
0x57: {  	_ =	shalt  }
0x58: {  	_ =	shalt  }
0x59: {  	_ =	shalt  }
0x5a: {  	_ =	shalt  }
0x5b: {  	_ =	shalt  }
0x5c: {  	_ =	shalt  }
0x5d: {  	_ =	shalt  }
0x5e: {  	_ =	shalt  }
0x5f: {  	_ =	shalt  }
0x60: {  	_ =	shalt  }
0x61: {  	_ =	shalt  }
0x62: {  	_ =	shalt  }
0x63: {  	_ =	shalt  }
0x64: {  	_ =	shalt  }
0x65: {  	_ =	shalt  }
0x66: {  	_ =	shalt  }
0x67: {  	_ =	shalt  }
0x68: {  	_ =	shalt  }
0x69: {  	_ =	shalt  }
0x6a: {  	_ =	shalt  }
0x6b: {  	_ =	shalt  }
0x6c: {  	_ =	shalt  }
0x6d: {  	_ =	shalt  }
0x6e: {  	_ =	shalt  }
0x6f: {  	_ =	shalt  }
0x70: {  	_ =	shalt  }
0x71: {  	_ =	shalt  }
0x72: {  	_ =	shalt  }
0x73: {  	_ =	shalt  }
0x74: {  	_ =	shalt  }
0x75: {  	_ =	shalt  }
0x76: {  	_ =	shalt  }
0x77: {  	_ =	shalt  }
0x78: {  	_ =	shalt  }
0x79: {  	_ =	shalt  }
0x7a: {  	_ =	shalt  }
0x7b: {  	_ =	shalt  }
0x7c: {  	_ =	shalt  }
0x7d: {  	_ =	shalt  }
0x7e: {  	_ =	shalt  }
0x7f: {  	_ =	shalt  }
0x80: {  	_ =	shalt  }
0x81: {  	_ =	shalt  }
0x82: {  	_ =	shalt  }
0x83: {  	_ =	shalt  }
0x84: {  	_ =	shalt  }
0x85: {  	_ =	shalt  }
0x86: {  	_ =	shalt  }
0x87: {  	_ =	shalt  }
.Lfunc_end0:
.L_simem_size_0:
called_computation_lowered:
.L_overlay_start_0:
0x88: {  	s0 =	sld [smem:$0x3FD9]  }
0x89: {  	s1 =	sld [smem:$0x3FFE];
	_ =	sdelay $0x3  }
0x8a: {  	s0 =	sadd.s32 s1, s0  }
0x8b: {  	[smem:$0x3FAC] =	sst s0  }
0x8c: {  	_ = 	snop  }
0x8d: {  	s0 =	sld [smem:$0x3FD0];
	_ =	sdelay $0x2  }
0x8e: {  	s13 =	simm.s32 $0xB;
	s2 =	simm.s32 $0x10  }
0x8f: {  	[smem:s2], [sflag:s13] =	dma.local [hbm:s0], $0x1  }
0x90: {  	_ =	swait.eq [sflag:s13], $0x1  }
0x91: {  	[sflag:s13] =	ssyncset.done $0x0  }
0x92: {  	s14 =	sld [smem:$0x10];
	[sflag:s13] =	ssyncadd.s32 $0xFFFFFFFF  }
0x93: {  	s15 =	sld [smem:$0x12];
	(tm) =	ssettm $0x1  }
0x94: {  	s16 =	sld [smem:$0x3FFB];
	_ =	sdelay $0x3  }
0x95: {  	_ =	strace s16  }
0x96: {  	s2 =	sld [smem:$0x3FFC];
	_ =	sdelay $0x3  }
0x97: {  	_ =	strace s2  }
0x98: {  	s2 =	sld [smem:$0x3FFD];
	_ =	sdelay $0x3  }
0x99: {  	_ =	strace s2  }
0x9a: {  	_ =	strace $0x8FFFFFFF  }
0x9b: {  	s17 =	sld [smem:$0x3FDB];
	_ =	sdelay $0x1  }
0x9c: {  	s3 =	simm.s32 $_scs_section_size  }
0x9d: {  	s4 =	simm.s32 $_size__tile_overlayer_lowered;
	s5 =	simm.s32 $_tile_overlayer_lowered  }
0x9e: {  	s20 =	simm.s32 $0x1BFF;
	s19 =	sshll.u32 s5, $0x1;
	s2 =	sadd.s32 s3, s17  }
0x9f: {  	s6 =	simm.s32 $0x0;
	s18 =	sshll.u32 s4, $0x1;
	s4 =	sadd.s32 s19, s2  }
0xa0: {  	[timem:s6], [sflag:s20] =	dma.local [hbm:s4], s18  }
0xa1: {  	_ =	swait.ge [sflag:s20], s18  }
0xa2: {  	s3 =	ssub.s32 $0x0, s18;
	[sflag:s20] =	ssyncset.done $0x0  }
0xa3: {  	[sflag:s20] =	ssyncadd.s32 s3;
	_ =	sdelay $0x1  }
0xa4: {  	s21 =	simm.s32 $0x1B8B  }
0xa5: {  	_ =	swait.ge [sflag:s21], $0x1  }
0xa6: {  	[sflag:s21] =	ssyncset.done $0x0  }
0xa7: {  	s23 =	simm.s32 $0x1B8E;
	s22 =	sld [smem:$0x3FFE];
	[sflag:s21] =	ssyncadd.s32 $0xFFFFFFFF  }
0xa8: {  	s24 =	simm.s32 $execute0_lowered;
	[smem:$0x3FD2] =	sst s23  }
0xa9: {  	s4 =	sshll.u32 s24, $0x1;
	_ =	strace $0x80000046;
	[dreg:$0x1] =	wrdreg $0xFFFFFFFF  }
0xaa: {  	s25 =	simm.s32 $_size_execute0_lowered;
	s2 =	sadd.s32 s2, s4;
	[dreg:$0x0] =	wrdreg $0x0  }
0xab: {  	s4 =	sshll.u32 s25, $0x1;
	[dreg:$0x2] =	wrdreg s2  }
0xac: {  	[dreg:$0x3] =	wrdreg s4  }
0xad: {  	[dreg:$0x4] =	wrdreg $0xC0  }
0xae: {  	_ =	task [dreg:s6], $0x5FFFF  }
0xaf: {  	[dreg:$0x1] =	wrdreg $0xFFFFFFFF  }
0xb0: {  	[dreg:$0x0] =	wrdreg $0x60  }
0xb1: {  	[dreg:$0x2] =	wrdreg s22  }
0xb2: {  	[dreg:$0x3] =	wrdreg s15  }
0xb3: {  	[dreg:$0x4] =	wrdreg s14  }
0xb4: {  	[dreg:$0x5] =	wrdreg $0x9  }
0xb5: {  	_ =	task.clear_ibuf [dreg:s6], $0x6FFFF;
	_ =	strace $0x90000046  }
0xb6: {  	s26 =	simm.s32 $0x9;
	_ =	strace $0x80000048  }
0xb7: {  	_ =	swait.ge [sflag:s26], $0x1  }
0xb8: {  	[sflag:s26] =	ssyncadd.s32 $0xFFFFFFFF  }
0xb9: {  	_ =	strace $0x90000048  }
0xba: {  	_ =	sfence  }
0xbb: {  	s28 =	sld [smem:$0x0];
	_ =	sdelay $0x1  }
0xbc: {  	s29 =	srdreg.scid  }
0xbd: {  	s30 =	sshll.u32 s29, $0xD;
	s31 =	sshrl.u32 s29, $0x2  }
0xbe: {  	s1 =	sand.u32 $0x1, s29;
	s2 =	sand.u32 $0x4000, s30;
	s0 =	sadd.s32 s31, s28  }
0xbf: {  	s1 =	sor.u32 s2, s1;
	s0 =	sshll.u32 s0, $0x11  }
0xc0: {  	s0 =	sor.u32 s0, s1  }
0xc1: {  	s0 =	sadd.s32 $0x8F2B, s0  }
0xc2: {  	[sflag:s0] =	ssyncadd.remote.s32 $0x1  }
0xc3: {  	_ =	sfence.sel $0xFFFF  }
0xc4: {  	[dreg:$0x0] =	wrdreg $0xFFFFFFFF;
	(pc) =	sbr.abs _section_cstart, $3  }
0xc5: {  	[dreg:$0x1] =	wrdreg $0xFFFFFFFF  }
0xc6: {  	_ =	task.clear_ibuf [dreg:s6], $0x2FFFF;
	_ =	strace $0x9FFFFFFF  }
0xc7: {  	(tm) =	ssettm $0x7FFFFFFF  }
tec
execute0_lowered:
.L_overlay_start_1:
0x0: {  	(tag) =	ssettag $0x1  }
0x1: {  	s1 =	rddreg [dreg:$0x0]  }
0x2: {  	s2 =	rddreg [dreg:$0x1]  }
0x3: {  	s3 =	rddreg [dreg:$0x2]  }
0x4: {  	s0 =	rddreg [dreg:$0x3];
	_ =	strace $0x80000047;
	s4 =	stileid.u32  }
0x5: {  	s5 =	simm.s32 $0x3E;
	s1 =	sadd.s32 $0x21200, s1;
	p0 =	sne.s32 s4, $0x0  }
0x6: {  	[sflag:s5] =	ssyncpa.u1 $0x0;
	s6 =	simm.s32 @!p0 $0x1C3E;
	s7 =	simm.s32 @!p0 $0x0  }
0x7: {  	[spmem:s7], [sflag:s6] =	dma.local @!p0 [hbm:s1], $0x10  }
0x8: {  	s6 =	simm.s32 @!p0 $0x3E  }
0x9: {  	_ =	swait.ge @!p0 [sflag:s6], $0x10  }
0xa: {  	[sflag:s6] =	ssyncset.done @!p0 $0x0  }
0xb: {  	[sflag:s6] =	ssyncadd.s32 @!p0 $0xFFFFFFF0  }
0xc: {  	s28 =	simm.s32 $0x1;
	[bflag:$0x0] =	sbarrier.arrive $0xFFFF  }
0xd: {  	s29 =	simm.s32 $0x2;
	s4 =	sshll.u32 s4, $0x6;
	[sflag:s5] =	ssyncpa.u1 $0x1  }
0xe: {  	s31 =	simm.s32 $0x208;
	s30 =	sadd.s32 s2, s4;
	[sflag:s28] =	ssyncpa.u1 $0x0  }
0xf: {  	s2 =	simm.s32 $0x0;
	(ifvalue) =	ssetifvalue $0x80;
	[sflag:s29] =	ssyncpa.u1 $0x0  }
0x10: {  	[tilespmem:s31], [sflag:$0x2] =	stream.linear.gather [hbm4b:s30+s2], $0x200, $0x38;
	[tilespmem:$0x808] =	vst v63  }
0x11: {  	s4 =	sadd.s32 s3, s4;
	s3 =	simm.s32 $0x608  }
0x12: {  	[tilespmem:s3], [sflag:$0x2] =	stream.linear.gather [hbm4b:s4+s2], $0x200, $0x38;
	[tilespmem:$0x808] =	vst v63  }
0x13: {  	_ =	swait.ge [sflag:s29], $0x400  }
0x14: {  	[sflag:s29] =	ssyncset.done $0x0  }
0x15: {  	[sflag:s29] =	ssyncadd.s32 $0xFFFFFC00  }
0x16: {  	v0 =	vld.msk [tilespmem:s31+$0x0 ss:$0x1], $0xffff;
	_ =	sdelay $0x4  }
0x17: {  	v0 =	vmin.u32 v0, $0x80;
	_ =	sdelay $0x3  }
0x18: {  	vm0 =	vmmov $0xffff;
	s5 =	simm.s32 $0x218;
	s4 =	simm.s32 $0x0  }
0x19: {  	[spmem:s2] =	stream.indirect_vreg.scatter.add.s32 [tilespmem:s3], [sflag:$0x1], $0x1, v0, vm0, $0x4038;
	[tilespmem:$0x808] =	vst v63  }
.LBB2_1:
0x1a: {  	v0 =	vld.msk [tilespmem:s5+$0x0 ss:$0x1], $0xffff;
	s4 =	sadd.s32 $0x10, s4  }
0x1b: {  	p1 =	slt.u32 s4, $0x1F0;
	_ =	sdelay $0x4  }
0x1c: {  	v0 =	vmin.u32 v0, $0x80  }
.Ltmp0:
0x1d: {  	(pc) =	sbr.rel @p1 .LBB2_1-.Ltmp0, $3  }
0x1e: {  	_ =	sdelay $0x1  }
0x1f: {  	s5 =	sadd.s32 $0x10, s5;
	s3 =	sadd.s32 $0x10, s3  }
0x20: {  	[spmem:s2] =	stream.indirect_vreg.scatter.add.s32 [tilespmem:s3], [sflag:$0x1], $0x1, v0, vm0, $0x4038;
	[tilespmem:$0x808] =	vst v63  }
0x21: {  	s2 =	simm.s32 $0x1  }
0x22: {  	_ =	swait.ge [sflag:s2], $0x200  }
0x23: {  	[sflag:s2] =	ssyncset.done $0x0  }
0x24: {  	[sflag:s2] =	ssyncadd.s32 $0xFFFFFE00  }
0x25: {  	_ =	sfence.sel $0x180000  }
0x26: {  	s3 =	simm.s32 $0x2;
	[bflag:$0x0] =	sbarrier.arrive $0xFFFF  }
0x27: {  	[sflag:s3] =	ssyncpa.u1 $0x1  }
0x28: {  	[sflag:s2] =	ssyncpa.u1 $0x1  }
0x29: {  	_ =	sfence.stream.spmem  }
0x2a: {  	s31 =	simm.s32 $0x3D;
	[bflag:$0x0] =	sbarrier.arrive $0xFFFF  }
0x2b: {  	s2 =	simm.s32 @p0 $0x3D;
	[sflag:s31] =	ssyncpa.u1 $0x0  }
0x2c: {  	[sflag:s2] =	ssyncpa.u1 @p0 $0x1  }
0x2d: {  	[bflag:$0x0] =	sbarrier.arrive @p0 $0xFFFF  }
0x2e: {  	_ =	strace @p0 $0x90000047  }
0x2f: {  	s3 =	simm.s32 @!p0 $0x1C3D;
	s2 =	simm.s32 @!p0 $0x0;
	[bflag:$0x2] =	sbarrier.arrive @p0 $0xFFFF  }
0x30: {  	[hbm:s1], [sflag:s3] =	dma.local @!p0 [spmem:s2], $0x10  }
0x31: {  	s1 =	simm.s32 @!p0 $0x3D  }
0x32: {  	_ =	swait.ge @!p0 [sflag:s1], $0x10  }
0x33: {  	[sflag:s1] =	ssyncset.done @!p0 $0x0  }
0x34: {  	[sflag:s1] =	ssyncadd.s32 @!p0 $0xFFFFFFF0  }
0x35: {  	[sflag:s1] =	ssyncpa.u1 @!p0 $0x1  }
0x36: {  	[bflag:$0x0] =	sbarrier.arrive @!p0 $0xFFFF  }
0x37: {  	_ =	strace @!p0 $0x90000047  }
0x38: {  	s0 =	sadd.s32 @!p0 $0x100000, s0;
	[bflag:$0x2] =	sbarrier.arrive @!p0 $0xFFFF  }
0x39: {  	[sflag:s0] =	ssyncadd.tile.s32 @!p0 $0x1;
	_ =	shalt  }
.Lfunc_end2:
_tile_overlayer_lowered:
.L_overlay_start_2:
0x3a: {  	(tag) =	ssettag $0x2  }
0x3b: {  	s0 =	rddreg [dreg:$0x0];
	s2 =	stileid.u32  }
0x3c: {  	s1 =	rddreg [dreg:$0x1];
	p0 =	sne.s32 s2, $0x0  }
0x3d: {  	s3 =	rddreg [dreg:$0x2];
	[bflag:$0x3] =	sbarrier.arrive $0xFFFF;
	s2 =	simm.s32 @!p0 $0x1C01  }
0x3e: {  	[timem:s3], [sflag:s2] =	dma.local @!p0 [hbm:s0], s1  }
0x3f: {  	s0 =	simm.s32 @!p0 $0x1  }
0x40: {  	_ =	swait.ge @!p0 [sflag:s0], s1  }
0x41: {  	s1 =	ssub.s32 @!p0 $0x0, s1;
	[sflag:s0] =	ssyncset.done @!p0 $0x0  }
0x42: {  	[sflag:s0] =	ssyncadd.s32 @!p0 s1  }
0x43: {  	[bflag:$0x3] =	sbarrier.arrive $0xFFFF  }
0x44: {  	_ =	shalt  }

</sc_bundles>
